<compile_context>
chip_gen: v7x
topology: tpu7x:2x2x1
jax: 0.10.2.dev20260603
libtpu: 0.0.44.dev20260713+nightly
codegen_flags: <defaults>
</compile_context>

<pallas_src>
import functools

import jax
import jax.numpy as jnp
import numpy as np
from jax import lax
from jax.experimental import pallas as pl
from jax.experimental.pallas import tpu as pltpu
from jax.experimental.pallas import tpu_sc as plsc

_OFFSETS = [(-1, -1), (-1, 0), (-1, 1), (0, -1), (0, 1), (1, -1), (1, 0), (1, 1)]
_POS = {(0, 1): 0, (1, -1): 1, (1, 0): 2, (1, 1): 3}

_NW = 32
_SPAN = 4096
_SLACK = 226


@functools.lru_cache(maxsize=None)
def _host_constants(height, width):
    hw = height * width
    hh, ww = np.meshgrid(np.arange(height), np.arange(width), indexing="ij")
    node = hh * width + ww
    src_cols, dst_cols = [], []
    for dh, dw in _OFFSETS:
        nh, nw = hh + dh, ww + dw
        valid = (nh >= 0) & (nh < height) & (nw >= 0) & (nw < width)
        neigh = nh * width + nw
        src_cols.append(np.where(valid, node, -1))
        dst_cols.append(np.where(valid, neigh, -1))
    src = np.stack(src_cols, axis=-1).reshape(-1)
    dst = np.stack(dst_cols, axis=-1).reshape(-1)
    mask = dst >= 0
    src, dst = src[mask], dst[mask]
    edge_index = np.stack([src, dst], axis=0).astype(np.int64)
    num_edges = src.shape[0]

    sh, sw = src // width, src % width
    th, tw = dst // width, dst % width
    spatial = np.sqrt((sh - th).astype(np.float32) ** 2
                      + (sw - tw).astype(np.float32) ** 2)

    dd = (th - sh) * 3 + (tw - sw)
    mid = np.abs(dd) - np.select([np.abs(dd) >= 2], [1], 0)
    mid = np.select([np.abs(dd) == 1, np.abs(dd) == 2,
                     np.abs(dd) == 3, np.abs(dd) == 4], [0, 1, 2, 3])
    anchor = np.where(dd > 0, src, dst)
    anchor = anchor - (mid == 1)

    chunk = -(-num_edges // _NW)
    chunk = ((chunk + 15) // 16) * 16
    e_pad = chunk * _NW
    pad = e_pad - num_edges
    anchor_p = np.concatenate([anchor, np.full(pad, anchor[-1])])
    mid_p = np.concatenate([mid, np.full(pad, mid[-1])])

    nodes_per_chunk = chunk // 8
    lidx = np.empty(e_pad, np.int32)
    for w in range(_NW):
        lo = min((max(w * nodes_per_chunk - _SLACK, 0) // 8) * 8, hw - _SPAN)
        sl = slice(w * chunk, (w + 1) * chunk)
        rel = anchor_p[sl] - lo
        assert rel.min() >= 0 and rel.max() < _SPAN, (w, rel.min(), rel.max())
        lidx[sl] = (mid_p[sl] * _SPAN + rel).astype(np.int32)

    return edge_index, spatial, lidx, num_edges, chunk, nodes_per_chunk


def _tc_diff_maps(x, cb=8, nbuf=4):
    _, c, h, w = x.shape
    scale = np.float32(1.0 / c)
    nblk = c // cb

    def body(x_hbm, o_ref, bufs, sems):
        for b in range(nbuf):
            pltpu.make_async_copy(
                x_hbm.at[0, pl.ds(b * cb, cb)], bufs.at[b], sems.at[b]
            ).start()

        def step(i, carry):
            slot = lax.rem(i, nbuf)

            def process(b):
                pltpu.make_async_copy(
                    x_hbm.at[0, pl.ds(i * cb, cb)], bufs.at[b], sems.at[b]
                ).wait()
                xb = bufs[b]
                xw = jnp.concatenate([xb[:, :, 1:], xb[:, :, :1]], axis=2)
                xh = jnp.concatenate([xb[:, 1:, :], xb[:, :1, :]], axis=1)
                xhw = jnp.concatenate([xh[:, :, 1:], xh[:, :, :1]], axis=2)
                o_ref[0] += scale * jnp.sum(jnp.abs(xb - xw), axis=0)
                o_ref[1] += scale * jnp.sum(jnp.abs(xw - xh), axis=0)
                o_ref[2] += scale * jnp.sum(jnp.abs(xb - xh), axis=0)
                o_ref[3] += scale * jnp.sum(jnp.abs(xb - xhw), axis=0)
                nxt = i + nbuf

                @pl.when(nxt < nblk)
                def _():
                    pltpu.make_async_copy(
                        x_hbm.at[0, pl.ds(nxt * cb, cb)], bufs.at[b],
                        sems.at[b]
                    ).start()

            for b in range(nbuf):
                @pl.when(slot == b)
                def _(b=b):
                    process(b)

            return carry

        o_ref[...] = jnp.zeros_like(o_ref)
        lax.fori_loop(0, nblk, step, 0)

    return pl.pallas_call(
        body,
        in_specs=[pl.BlockSpec(memory_space=pl.ANY)],
        out_specs=pl.BlockSpec(memory_space=pltpu.VMEM),
        out_shape=jax.ShapeDtypeStruct((4, h, w), jnp.float32),
        scratch_shapes=[
            pltpu.VMEM((nbuf, cb, h, w), jnp.float32),
            pltpu.SemaphoreType.DMA((nbuf,)),
        ],
        compiler_params=pltpu.CompilerParams(skip_device_barrier=True),
    )(x)


def _sc_compact(d_flat, lidx, chunk, nodes_per_chunk, hw):
    e_pad = chunk * _NW
    info = plsc.get_sparse_core_info()
    nc = info.num_cores
    mesh = plsc.VectorSubcoreMesh(core_axis_name="c", subcore_axis_name="s")

    @functools.partial(
        pl.kernel,
        out_type=jax.ShapeDtypeStruct((e_pad,), jnp.float32),
        mesh=mesh,
        compiler_params=pltpu.CompilerParams(
            use_tc_tiling_on_sc=False, needs_layout_passes=False,
            skip_device_barrier=True),
        scratch_types=[
            pltpu.VMEM((chunk,), jnp.int32),
            pltpu.VMEM((4 * _SPAN,), jnp.float32),
            pltpu.VMEM((chunk,), jnp.float32),
        ],
    )
    def sc_kernel(d_hbm, lidx_hbm, out_hbm, idx_v, buf_v, out_v):
        wid = lax.axis_index("s") * nc + lax.axis_index("c")
        base = wid * chunk
        pltpu.sync_copy(lidx_hbm.at[pl.ds(base, chunk)], idx_v)
        t = jnp.maximum(wid * nodes_per_chunk - _SLACK, 0)
        s_lo = jnp.minimum((t // 8) * 8, hw - _SPAN)
        for m in range(4):
            pltpu.sync_copy(d_hbm.at[pl.ds(m * hw + s_lo, _SPAN)],
                            buf_v.at[pl.ds(m * _SPAN, _SPAN)])

        def step(i, carry):
            iv = idx_v[pl.ds(i * 16, 16)]
            out_v[pl.ds(i * 16, 16)] = plsc.load_gather(buf_v, [iv])
            return carry

        lax.fori_loop(0, chunk // 16, step, 0, unroll=4)
        pltpu.sync_copy(out_v, out_hbm.at[pl.ds(base, chunk)])

    return sc_kernel(d_flat, lidx)


def kernel(grid_features):
    batch, channels, height, width = grid_features.shape
    hw = height * width
    edge_index_np, spatial_np, lidx_np, num_edges, chunk, npc = _host_constants(
        height, width)

    node_features = jnp.transpose(grid_features, (0, 2, 3, 1)).reshape(
        batch * hw, channels)

    d_maps = _tc_diff_maps(grid_features)
    fd_pad = _sc_compact(d_maps.reshape(4 * hw), jnp.asarray(lidx_np),
                         chunk, npc, hw)
    feature_diff = fd_pad[:num_edges]

    edge_index = jnp.asarray(edge_index_np)
    edge_attr = jnp.stack([jnp.asarray(spatial_np), feature_diff], axis=1)
    return (node_features, edge_index, edge_attr)

# --- scband reference (transcript-rebuilt; emitter-appended) ---
"""Pipeline reference for scband-grid-to-graph-converter-20229295964754 (READ-ONLY COPY).

The authoritative reference and input builder live on the scoring server;
editing this copy changes nothing except your own understanding.
"""

import jax, jax.numpy as jnp
import numpy as np


def _build_edge_index(height, width):
    # Reproduces the torch nested-loop order: per node (row-major), offsets
    # dh in [-1,0,1], dw in [-1,0,1] skipping (0,0).
    offsets = [(-1, -1), (-1, 0), (-1, 1), (0, -1), (0, 1), (1, -1), (1, 0), (1, 1)]
    hh, ww = np.meshgrid(np.arange(height), np.arange(width), indexing='ij')
    node = hh * width + ww  # [H, W]
    src_cols = []
    dst_cols = []
    for dh, dw in offsets:
        nh = hh + dh
        nw = ww + dw
        valid = (nh >= 0) & (nh < height) & (nw >= 0) & (nw < width)
        neigh = nh * width + nw
        src_cols.append(np.where(valid, node, -1))
        dst_cols.append(np.where(valid, neigh, -1))
    src = np.stack(src_cols, axis=-1).reshape(-1)  # node-major, offset inner
    dst = np.stack(dst_cols, axis=-1).reshape(-1)
    mask = dst >= 0
    src = src[mask]
    dst = dst[mask]
    return np.stack([src, dst], axis=0).astype(np.int64)


def setup_inputs(seed: int = 0) -> dict:
    key = jax.random.key(seed)
    grid_features = jax.random.normal(key, (1, 96, 224, 224), dtype=jnp.float32)
    return {"grid_features": grid_features}


def reference(grid_features):
    batch_size, channels, height, width = grid_features.shape
    # node features: permute to NHWC then flatten
    node_features = jnp.transpose(grid_features, (0, 2, 3, 1)).reshape(
        batch_size * height * width, channels
    )
    # edge index (structural, depends only on H, W)
    edge_index = jnp.asarray(_build_edge_index(height, width))
    src_indices = edge_index[0]
    dst_indices = edge_index[1]
    src_h = src_indices // width
    src_w = src_indices % width
    dst_h = dst_indices // width
    dst_w = dst_indices % width
    spatial_dist = jnp.sqrt(
        (src_h - dst_h).astype(jnp.float32) ** 2
        + (src_w - dst_w).astype(jnp.float32) ** 2
    )
    # per-batch feature diffs, vectorized (equivalent to the torch python loop)
    grid_flat = jnp.transpose(grid_features, (0, 2, 3, 1)).reshape(
        batch_size, height * width, channels
    )
    src_feats = jnp.take(grid_flat, src_indices, axis=1)  # [B, E, C] gather
    dst_feats = jnp.take(grid_flat, dst_indices, axis=1)  # [B, E, C] gather
    feature_diff = jnp.abs(src_feats - dst_feats).mean(axis=2).mean(axis=0)  # [E]
    edge_attr = jnp.stack([spatial_dist, feature_diff], axis=1)
    return (node_features, edge_index, edge_attr)

if __name__ == "__main__":
    import jax
    _d = setup_inputs()
    print(jax.jit(kernel)(*tuple(_d.values())))

</pallas_src>

<mosaic_0001>
#map = affine_map<(d0, d1) -> (0)>
module attributes {stable_mosaic.version = 14 : i64} {
  func.func @sc_kernel(%arg0: i32, %arg1: i32, %arg2: memref<200704xf32, #tpu.memory_space<hbm>>, %arg3: memref<398848xi32, #tpu.memory_space<hbm>>, %arg4: memref<398848xf32, #tpu.memory_space<hbm>>, %arg5: memref<12464xi32, #tpu.memory_space<vmem>>, %arg6: memref<16384xf32, #tpu.memory_space<vmem>>, %arg7: memref<12464xf32, #tpu.memory_space<vmem>>) attributes {dimension_semantics = [#tpu.dimension_semantics<core_parallel>, #tpu.dimension_semantics<subcore_parallel>], iteration_bounds = array<i64: 2, 16>, scalar_prefetch = 0 : i64, scratch_operands = 3 : i64, tpu.core_type = #tpu.core_type<sc_vector_subcore>, window_params = [{transform_indices = #map}, {transform_indices = #map}, {transform_indices = #map}]} {
    %mul3A = arith.constant 2 : i32
    %mul3A_0 = arith.muli %arg1, %mul3A : i32
    %add3A = arith.addi %mul3A_0, %arg0 : i32
    %mul3A_1 = arith.constant 12464 : i32
    %mul3A_2 = arith.muli %add3A, %mul3A_1 : i32
    "tpu.region"() ({
      %run_scoped3A = tpu.sem_alloc : memref<!tpu.dma_semaphore, #tpu.memory_space<semaphore_mem>>
      %dma_start3A = tpu.memref_slice %arg3[%mul3A_2] : memref<398848xi32, #tpu.memory_space<hbm>> -> memref<12464xi32, #tpu.memory_space<hbm>>
      %dma_start3A_70 = tpu.memref_slice %arg3[%mul3A_2] : memref<398848xi32, #tpu.memory_space<hbm>> -> memref<12464xi32, #tpu.memory_space<hbm>>
      tpu.enqueue_dma source(%dma_start3A_70 : memref<12464xi32, #tpu.memory_space<hbm>>) target(%arg5 : memref<12464xi32, #tpu.memory_space<vmem>>) target_semaphore(%run_scoped3A : memref<!tpu.dma_semaphore, #tpu.memory_space<semaphore_mem>>)
      %dma_wait3A = tpu.memref_slice %arg3[%mul3A_2] : memref<398848xi32, #tpu.memory_space<hbm>> -> memref<12464xi32, #tpu.memory_space<hbm>>
      %dma_wait3A_71 = tpu.memref_slice %arg3[%mul3A_2] : memref<398848xi32, #tpu.memory_space<hbm>> -> memref<12464xi32, #tpu.memory_space<hbm>>
      tpu.wait_dma2 semaphore(%run_scoped3A : memref<!tpu.dma_semaphore, #tpu.memory_space<semaphore_mem>>) src(%dma_wait3A_71 : memref<12464xi32, #tpu.memory_space<hbm>>) dst(%arg5 : memref<12464xi32, #tpu.memory_space<vmem>>)
      tpu.yield
    }) : () -> ()
    %mul3A_3 = arith.constant 1558 : i32
    %mul3A_4 = arith.muli %add3A, %mul3A_3 : i32
    %sub3A = arith.constant 226 : i32
    %sub3A_5 = arith.subi %mul3A_4, %sub3A : i32
    %max3A = arith.constant 0 : i32
    %max3A_6 = arith.maxsi %sub3A_5, %max3A : i32
    %jit3A = arith.constant 8 : i32
    %div3A = arith.divsi %max3A_6, %jit3A : i32
    %sign3A = arith.constant 0 : i32
    %sign3A_7 = arith.cmpi sgt, %max3A_6, %sign3A : i32
    %sign3A_8 = arith.extui %sign3A_7 : i1 to i32
    %sign3A_9 = arith.constant 0 : i32
    %sign3A_10 = arith.cmpi slt, %max3A_6, %sign3A_9 : i32
    %sign3A_11 = arith.extui %sign3A_10 : i1 to i32
    %sign3A_12 = arith.subi %sign3A_8, %sign3A_11 : i32
    %sign3A_13 = arith.constant 0 : i32
    %sign3A_14 = arith.cmpi sgt, %jit3A, %sign3A_13 : i32
    %sign3A_15 = arith.extui %sign3A_14 : i1 to i32
    %sign3A_16 = arith.constant 0 : i32
    %sign3A_17 = arith.cmpi slt, %jit3A, %sign3A_16 : i32
    %sign3A_18 = arith.extui %sign3A_17 : i1 to i32
    %sign3A_19 = arith.subi %sign3A_15, %sign3A_18 : i32
    %ne3A = arith.cmpi ne, %sign3A_12, %sign3A_19 : i32
    %rem3A = arith.remsi %max3A_6, %jit3A : i32
    %ne3A_20 = arith.constant 0 : i32
    %ne3A_21 = arith.cmpi ne, %rem3A, %ne3A_20 : i32
    %and3A = arith.andi %ne3A, %ne3A_21 : i1
    %sub3A_22 = arith.constant 1 : i32
    %sub3A_23 = arith.subi %div3A, %sub3A_22 : i32
    %select_n3A = arith.select %and3A, %sub3A_23, %div3A : i32
    %mul3A_24 = arith.constant 8 : i32
    %mul3A_25 = arith.muli %select_n3A, %mul3A_24 : i32
    %min3A = arith.constant 46080 : i32
    %min3A_26 = arith.minsi %mul3A_25, %min3A : i32
    %add3A_27 = arith.constant 0 : i32
    %add3A_28 = arith.addi %add3A_27, %min3A_26 : i32
    "tpu.region"() ({
      %run_scoped3A = tpu.sem_alloc : memref<!tpu.dma_semaphore, #tpu.memory_space<semaphore_mem>>
      %dma_start3A = arith.constant 0 : i32
      %dma_start3A_70 = tpu.memref_slice %arg6[%dma_start3A] : memref<16384xf32, #tpu.memory_space<vmem>> -> memref<4096xf32, #tpu.memory_space<vmem>>
      %dma_start3A_71 = tpu.memref_slice %arg2[%add3A_28] : memref<200704xf32, #tpu.memory_space<hbm>> -> memref<4096xf32, #tpu.memory_space<hbm>>
      %dma_start3A_72 = arith.constant 0 : i32
      %dma_start3A_73 = tpu.memref_slice %arg6[%dma_start3A_72] : memref<16384xf32, #tpu.memory_space<vmem>> -> memref<4096xf32, #tpu.memory_space<vmem>>
      %dma_start3A_74 = tpu.memref_slice %arg2[%add3A_28] : memref<200704xf32, #tpu.memory_space<hbm>> -> memref<4096xf32, #tpu.memory_space<hbm>>
      tpu.enqueue_dma source(%dma_start3A_74 : memref<4096xf32, #tpu.memory_space<hbm>>) target(%dma_start3A_73 : memref<4096xf32, #tpu.memory_space<vmem>>) target_semaphore(%run_scoped3A : memref<!tpu.dma_semaphore, #tpu.memory_space<semaphore_mem>>)
      %dma_wait3A = arith.constant 0 : i32
      %dma_wait3A_75 = tpu.memref_slice %arg6[%dma_wait3A] : memref<16384xf32, #tpu.memory_space<vmem>> -> memref<4096xf32, #tpu.memory_space<vmem>>
      %dma_wait3A_76 = tpu.memref_slice %arg2[%add3A_28] : memref<200704xf32, #tpu.memory_space<hbm>> -> memref<4096xf32, #tpu.memory_space<hbm>>
      %dma_wait3A_77 = arith.constant 0 : i32
      %dma_wait3A_78 = tpu.memref_slice %arg6[%dma_wait3A_77] : memref<16384xf32, #tpu.memory_space<vmem>> -> memref<4096xf32, #tpu.memory_space<vmem>>
      %dma_wait3A_79 = tpu.memref_slice %arg2[%add3A_28] : memref<200704xf32, #tpu.memory_space<hbm>> -> memref<4096xf32, #tpu.memory_space<hbm>>
      tpu.wait_dma2 semaphore(%run_scoped3A : memref<!tpu.dma_semaphore, #tpu.memory_space<semaphore_mem>>) src(%dma_wait3A_79 : memref<4096xf32, #tpu.memory_space<hbm>>) dst(%dma_wait3A_78 : memref<4096xf32, #tpu.memory_space<vmem>>)
      tpu.yield
    }) : () -> ()
    %add3A_29 = arith.constant 50176 : i32
    %add3A_30 = arith.addi %add3A_29, %min3A_26 : i32
    "tpu.region"() ({
      %run_scoped3A = tpu.sem_alloc : memref<!tpu.dma_semaphore, #tpu.memory_space<semaphore_mem>>
      %dma_start3A = arith.constant 4096 : i32
      %dma_start3A_70 = tpu.memref_slice %arg6[%dma_start3A] : memref<16384xf32, #tpu.memory_space<vmem>> -> memref<4096xf32, #tpu.memory_space<vmem>>
      %dma_start3A_71 = tpu.memref_slice %arg2[%add3A_30] : memref<200704xf32, #tpu.memory_space<hbm>> -> memref<4096xf32, #tpu.memory_space<hbm>>
      %dma_start3A_72 = arith.constant 4096 : i32
      %dma_start3A_73 = tpu.memref_slice %arg6[%dma_start3A_72] : memref<16384xf32, #tpu.memory_space<vmem>> -> memref<4096xf32, #tpu.memory_space<vmem>>
      %dma_start3A_74 = tpu.memref_slice %arg2[%add3A_30] : memref<200704xf32, #tpu.memory_space<hbm>> -> memref<4096xf32, #tpu.memory_space<hbm>>
      tpu.enqueue_dma source(%dma_start3A_74 : memref<4096xf32, #tpu.memory_space<hbm>>) target(%dma_start3A_73 : memref<4096xf32, #tpu.memory_space<vmem>>) target_semaphore(%run_scoped3A : memref<!tpu.dma_semaphore, #tpu.memory_space<semaphore_mem>>)
      %dma_wait3A = arith.constant 4096 : i32
      %dma_wait3A_75 = tpu.memref_slice %arg6[%dma_wait3A] : memref<16384xf32, #tpu.memory_space<vmem>> -> memref<4096xf32, #tpu.memory_space<vmem>>
      %dma_wait3A_76 = tpu.memref_slice %arg2[%add3A_30] : memref<200704xf32, #tpu.memory_space<hbm>> -> memref<4096xf32, #tpu.memory_space<hbm>>
      %dma_wait3A_77 = arith.constant 4096 : i32
      %dma_wait3A_78 = tpu.memref_slice %arg6[%dma_wait3A_77] : memref<16384xf32, #tpu.memory_space<vmem>> -> memref<4096xf32, #tpu.memory_space<vmem>>
      %dma_wait3A_79 = tpu.memref_slice %arg2[%add3A_30] : memref<200704xf32, #tpu.memory_space<hbm>> -> memref<4096xf32, #tpu.memory_space<hbm>>
      tpu.wait_dma2 semaphore(%run_scoped3A : memref<!tpu.dma_semaphore, #tpu.memory_space<semaphore_mem>>) src(%dma_wait3A_79 : memref<4096xf32, #tpu.memory_space<hbm>>) dst(%dma_wait3A_78 : memref<4096xf32, #tpu.memory_space<vmem>>)
      tpu.yield
    }) : () -> ()
    %add3A_31 = arith.constant 100352 : i32
    %add3A_32 = arith.addi %add3A_31, %min3A_26 : i32
    "tpu.region"() ({
      %run_scoped3A = tpu.sem_alloc : memref<!tpu.dma_semaphore, #tpu.memory_space<semaphore_mem>>
      %dma_start3A = arith.constant 8192 : i32
      %dma_start3A_70 = tpu.memref_slice %arg6[%dma_start3A] : memref<16384xf32, #tpu.memory_space<vmem>> -> memref<4096xf32, #tpu.memory_space<vmem>>
      %dma_start3A_71 = tpu.memref_slice %arg2[%add3A_32] : memref<200704xf32, #tpu.memory_space<hbm>> -> memref<4096xf32, #tpu.memory_space<hbm>>
      %dma_start3A_72 = arith.constant 8192 : i32
      %dma_start3A_73 = tpu.memref_slice %arg6[%dma_start3A_72] : memref<16384xf32, #tpu.memory_space<vmem>> -> memref<4096xf32, #tpu.memory_space<vmem>>
      %dma_start3A_74 = tpu.memref_slice %arg2[%add3A_32] : memref<200704xf32, #tpu.memory_space<hbm>> -> memref<4096xf32, #tpu.memory_space<hbm>>
      tpu.enqueue_dma source(%dma_start3A_74 : memref<4096xf32, #tpu.memory_space<hbm>>) target(%dma_start3A_73 : memref<4096xf32, #tpu.memory_space<vmem>>) target_semaphore(%run_scoped3A : memref<!tpu.dma_semaphore, #tpu.memory_space<semaphore_mem>>)
      %dma_wait3A = arith.constant 8192 : i32
      %dma_wait3A_75 = tpu.memref_slice %arg6[%dma_wait3A] : memref<16384xf32, #tpu.memory_space<vmem>> -> memref<4096xf32, #tpu.memory_space<vmem>>
      %dma_wait3A_76 = tpu.memref_slice %arg2[%add3A_32] : memref<200704xf32, #tpu.memory_space<hbm>> -> memref<4096xf32, #tpu.memory_space<hbm>>
      %dma_wait3A_77 = arith.constant 8192 : i32
      %dma_wait3A_78 = tpu.memref_slice %arg6[%dma_wait3A_77] : memref<16384xf32, #tpu.memory_space<vmem>> -> memref<4096xf32, #tpu.memory_space<vmem>>
      %dma_wait3A_79 = tpu.memref_slice %arg2[%add3A_32] : memref<200704xf32, #tpu.memory_space<hbm>> -> memref<4096xf32, #tpu.memory_space<hbm>>
      tpu.wait_dma2 semaphore(%run_scoped3A : memref<!tpu.dma_semaphore, #tpu.memory_space<semaphore_mem>>) src(%dma_wait3A_79 : memref<4096xf32, #tpu.memory_space<hbm>>) dst(%dma_wait3A_78 : memref<4096xf32, #tpu.memory_space<vmem>>)
      tpu.yield
    }) : () -> ()
    %add3A_33 = arith.constant 150528 : i32
    %add3A_34 = arith.addi %add3A_33, %min3A_26 : i32
    "tpu.region"() ({
      %run_scoped3A = tpu.sem_alloc : memref<!tpu.dma_semaphore, #tpu.memory_space<semaphore_mem>>
      %dma_start3A = arith.constant 12288 : i32
      %dma_start3A_70 = tpu.memref_slice %arg6[%dma_start3A] : memref<16384xf32, #tpu.memory_space<vmem>> -> memref<4096xf32, #tpu.memory_space<vmem>>
      %dma_start3A_71 = tpu.memref_slice %arg2[%add3A_34] : memref<200704xf32, #tpu.memory_space<hbm>> -> memref<4096xf32, #tpu.memory_space<hbm>>
      %dma_start3A_72 = arith.constant 12288 : i32
      %dma_start3A_73 = tpu.memref_slice %arg6[%dma_start3A_72] : memref<16384xf32, #tpu.memory_space<vmem>> -> memref<4096xf32, #tpu.memory_space<vmem>>
      %dma_start3A_74 = tpu.memref_slice %arg2[%add3A_34] : memref<200704xf32, #tpu.memory_space<hbm>> -> memref<4096xf32, #tpu.memory_space<hbm>>
      tpu.enqueue_dma source(%dma_start3A_74 : memref<4096xf32, #tpu.memory_space<hbm>>) target(%dma_start3A_73 : memref<4096xf32, #tpu.memory_space<vmem>>) target_semaphore(%run_scoped3A : memref<!tpu.dma_semaphore, #tpu.memory_space<semaphore_mem>>)
      %dma_wait3A = arith.constant 12288 : i32
      %dma_wait3A_75 = tpu.memref_slice %arg6[%dma_wait3A] : memref<16384xf32, #tpu.memory_space<vmem>> -> memref<4096xf32, #tpu.memory_space<vmem>>
      %dma_wait3A_76 = tpu.memref_slice %arg2[%add3A_34] : memref<200704xf32, #tpu.memory_space<hbm>> -> memref<4096xf32, #tpu.memory_space<hbm>>
      %dma_wait3A_77 = arith.constant 12288 : i32
      %dma_wait3A_78 = tpu.memref_slice %arg6[%dma_wait3A_77] : memref<16384xf32, #tpu.memory_space<vmem>> -> memref<4096xf32, #tpu.memory_space<vmem>>
      %dma_wait3A_79 = tpu.memref_slice %arg2[%add3A_34] : memref<200704xf32, #tpu.memory_space<hbm>> -> memref<4096xf32, #tpu.memory_space<hbm>>
      tpu.wait_dma2 semaphore(%run_scoped3A : memref<!tpu.dma_semaphore, #tpu.memory_space<semaphore_mem>>) src(%dma_wait3A_79 : memref<4096xf32, #tpu.memory_space<hbm>>) dst(%dma_wait3A_78 : memref<4096xf32, #tpu.memory_space<vmem>>)
      tpu.yield
    }) : () -> ()
    %scan3A = arith.constant 0 : i32
    %scan3A_35 = arith.constant 0 : i32
    %scan3A_36 = arith.constant 776 : i32
    %scan3A_37 = arith.addi %scan3A_35, %scan3A_36 : i32
    %scan3A_38 = arith.constant 4 : i32
    scf.for %scan3A_70 = %scan3A_35 to %scan3A_37 step %scan3A_38  : i32 {
      %mul3A_71 = arith.constant 16 : i32
      %mul3A_72 = arith.muli %scan3A_70, %mul3A_71 : i32
      %get3A_73 = arith.index_cast %mul3A_72 : i32 to index
      %get3A_74 = tpu.vector_load %arg5[%get3A_73] {strides = array<i32>} : memref<12464xi32, #tpu.memory_space<vmem>>, vector<16xi32>,
      %gather3A_75 = tpu.vector_load_idx %arg6[%get3A_74] : memref<16384xf32, #tpu.memory_space<vmem>>[vector<16xi32>], vector<16xf32>,
      %mul3A_76 = arith.constant 16 : i32
      %mul3A_77 = arith.muli %scan3A_70, %mul3A_76 : i32
      %swap3A_78 = arith.index_cast %mul3A_77 : i32 to index
      %swap3A_79 = tpu.vector_load %arg7[%swap3A_78] {strides = array<i32>} : memref<12464xf32, #tpu.memory_space<vmem>>, vector<16xf32>,
      tpu.vector_store %arg7[%swap3A_78], %gather3A_75 {strides = array<i32>} : memref<12464xf32, #tpu.memory_space<vmem>>, vector<16xf32>,
      %scan3A_80 = arith.constant 1 : i32
      %scan3A_81 = arith.addi %scan3A_70, %scan3A_80 : i32
      %mul3A_82 = arith.constant 16 : i32
      %mul3A_83 = arith.muli %scan3A_81, %mul3A_82 : i32
      %get3A_84 = arith.index_cast %mul3A_83 : i32 to index
      %get3A_85 = tpu.vector_load %arg5[%get3A_84] {strides = array<i32>} : memref<12464xi32, #tpu.memory_space<vmem>>, vector<16xi32>,
      %gather3A_86 = tpu.vector_load_idx %arg6[%get3A_85] : memref<16384xf32, #tpu.memory_space<vmem>>[vector<16xi32>], vector<16xf32>,
      %mul3A_87 = arith.constant 16 : i32
      %mul3A_88 = arith.muli %scan3A_81, %mul3A_87 : i32
      %swap3A_89 = arith.index_cast %mul3A_88 : i32 to index
      %swap3A_90 = tpu.vector_load %arg7[%swap3A_89] {strides = array<i32>} : memref<12464xf32, #tpu.memory_space<vmem>>, vector<16xf32>,
      tpu.vector_store %arg7[%swap3A_89], %gather3A_86 {strides = array<i32>} : memref<12464xf32, #tpu.memory_space<vmem>>, vector<16xf32>,
      %scan3A_91 = arith.constant 2 : i32
      %scan3A_92 = arith.addi %scan3A_70, %scan3A_91 : i32
      %mul3A_93 = arith.constant 16 : i32
      %mul3A_94 = arith.muli %scan3A_92, %mul3A_93 : i32
      %get3A_95 = arith.index_cast %mul3A_94 : i32 to index
      %get3A_96 = tpu.vector_load %arg5[%get3A_95] {strides = array<i32>} : memref<12464xi32, #tpu.memory_space<vmem>>, vector<16xi32>,
      %gather3A_97 = tpu.vector_load_idx %arg6[%get3A_96] : memref<16384xf32, #tpu.memory_space<vmem>>[vector<16xi32>], vector<16xf32>,
      %mul3A_98 = arith.constant 16 : i32
      %mul3A_99 = arith.muli %scan3A_92, %mul3A_98 : i32
      %swap3A_100 = arith.index_cast %mul3A_99 : i32 to index
      %swap3A_101 = tpu.vector_load %arg7[%swap3A_100] {strides = array<i32>} : memref<12464xf32, #tpu.memory_space<vmem>>, vector<16xf32>,
      tpu.vector_store %arg7[%swap3A_100], %gather3A_97 {strides = array<i32>} : memref<12464xf32, #tpu.memory_space<vmem>>, vector<16xf32>,
      %scan3A_102 = arith.constant 3 : i32
      %scan3A_103 = arith.addi %scan3A_70, %scan3A_102 : i32
      %mul3A_104 = arith.constant 16 : i32
      %mul3A_105 = arith.muli %scan3A_103, %mul3A_104 : i32
      %get3A_106 = arith.index_cast %mul3A_105 : i32 to index
      %get3A_107 = tpu.vector_load %arg5[%get3A_106] {strides = array<i32>} : memref<12464xi32, #tpu.memory_space<vmem>>, vector<16xi32>,
      %gather3A_108 = tpu.vector_load_idx %arg6[%get3A_107] : memref<16384xf32, #tpu.memory_space<vmem>>[vector<16xi32>], vector<16xf32>,
      %mul3A_109 = arith.constant 16 : i32
      %mul3A_110 = arith.muli %scan3A_103, %mul3A_109 : i32
      %swap3A_111 = arith.index_cast %mul3A_110 : i32 to index
      %swap3A_112 = tpu.vector_load %arg7[%swap3A_111] {strides = array<i32>} : memref<12464xf32, #tpu.memory_space<vmem>>, vector<16xf32>,
      tpu.vector_store %arg7[%swap3A_111], %gather3A_108 {strides = array<i32>} : memref<12464xf32, #tpu.memory_space<vmem>>, vector<16xf32>,
    }
    %scan3A_39 = arith.constant 776 : i32
    %scan3A_40 = arith.addi %scan3A_35, %scan3A_39 : i32
    %mul3A_41 = arith.constant 16 : i32
    %mul3A_42 = arith.muli %scan3A_40, %mul3A_41 : i32
    %get3A = arith.index_cast %mul3A_42 : i32 to index
    %get3A_43 = tpu.vector_load %arg5[%get3A] {strides = array<i32>} : memref<12464xi32, #tpu.memory_space<vmem>>, vector<16xi32>,
    %gather3A = tpu.vector_load_idx %arg6[%get3A_43] : memref<16384xf32, #tpu.memory_space<vmem>>[vector<16xi32>], vector<16xf32>,
    %mul3A_44 = arith.constant 16 : i32
    %mul3A_45 = arith.muli %scan3A_40, %mul3A_44 : i32
    %swap3A = arith.index_cast %mul3A_45 : i32 to index
    %swap3A_46 = tpu.vector_load %arg7[%swap3A] {strides = array<i32>} : memref<12464xf32, #tpu.memory_space<vmem>>, vector<16xf32>,
    tpu.vector_store %arg7[%swap3A], %gather3A {strides = array<i32>} : memref<12464xf32, #tpu.memory_space<vmem>>, vector<16xf32>,
    %scan3A_47 = arith.constant 777 : i32
    %scan3A_48 = arith.addi %scan3A_35, %scan3A_47 : i32
    %mul3A_49 = arith.constant 16 : i32
    %mul3A_50 = arith.muli %scan3A_48, %mul3A_49 : i32
    %get3A_51 = arith.index_cast %mul3A_50 : i32 to index
    %get3A_52 = tpu.vector_load %arg5[%get3A_51] {strides = array<i32>} : memref<12464xi32, #tpu.memory_space<vmem>>, vector<16xi32>,
    %gather3A_53 = tpu.vector_load_idx %arg6[%get3A_52] : memref<16384xf32, #tpu.memory_space<vmem>>[vector<16xi32>], vector<16xf32>,
    %mul3A_54 = arith.constant 16 : i32
    %mul3A_55 = arith.muli %scan3A_48, %mul3A_54 : i32
    %swap3A_56 = arith.index_cast %mul3A_55 : i32 to index
    %swap3A_57 = tpu.vector_load %arg7[%swap3A_56] {strides = array<i32>} : memref<12464xf32, #tpu.memory_space<vmem>>, vector<16xf32>,
    tpu.vector_store %arg7[%swap3A_56], %gather3A_53 {strides = array<i32>} : memref<12464xf32, #tpu.memory_space<vmem>>, vector<16xf32>,
    %scan3A_58 = arith.constant 778 : i32
    %scan3A_59 = arith.addi %scan3A_35, %scan3A_58 : i32
    %mul3A_60 = arith.constant 16 : i32
    %mul3A_61 = arith.muli %scan3A_59, %mul3A_60 : i32
    %get3A_62 = arith.index_cast %mul3A_61 : i32 to index
    %get3A_63 = tpu.vector_load %arg5[%get3A_62] {strides = array<i32>} : memref<12464xi32, #tpu.memory_space<vmem>>, vector<16xi32>,
    %gather3A_64 = tpu.vector_load_idx %arg6[%get3A_63] : memref<16384xf32, #tpu.memory_space<vmem>>[vector<16xi32>], vector<16xf32>,
    %mul3A_65 = arith.constant 16 : i32
    %mul3A_66 = arith.muli %scan3A_59, %mul3A_65 : i32
    %swap3A_67 = arith.index_cast %mul3A_66 : i32 to index
    %swap3A_68 = tpu.vector_load %arg7[%swap3A_67] {strides = array<i32>} : memref<12464xf32, #tpu.memory_space<vmem>>, vector<16xf32>,
    tpu.vector_store %arg7[%swap3A_67], %gather3A_64 {strides = array<i32>} : memref<12464xf32, #tpu.memory_space<vmem>>, vector<16xf32>,
    %scan3A_69 = arith.constant 779 : i32
    "tpu.region"() ({
      %run_scoped3A = tpu.sem_alloc : memref<!tpu.dma_semaphore, #tpu.memory_space<semaphore_mem>>
      %dma_start3A = tpu.memref_slice %arg4[%mul3A_2] : memref<398848xf32, #tpu.memory_space<hbm>> -> memref<12464xf32, #tpu.memory_space<hbm>>
      %dma_start3A_70 = tpu.memref_slice %arg4[%mul3A_2] : memref<398848xf32, #tpu.memory_space<hbm>> -> memref<12464xf32, #tpu.memory_space<hbm>>
      tpu.enqueue_dma source(%arg7 : memref<12464xf32, #tpu.memory_space<vmem>>) target(%dma_start3A_70 : memref<12464xf32, #tpu.memory_space<hbm>>) target_semaphore(%run_scoped3A : memref<!tpu.dma_semaphore, #tpu.memory_space<semaphore_mem>>)
      %dma_wait3A = tpu.memref_slice %arg4[%mul3A_2] : memref<398848xf32, #tpu.memory_space<hbm>> -> memref<12464xf32, #tpu.memory_space<hbm>>
      %dma_wait3A_71 = tpu.memref_slice %arg4[%mul3A_2] : memref<398848xf32, #tpu.memory_space<hbm>> -> memref<12464xf32, #tpu.memory_space<hbm>>
      tpu.wait_dma2 semaphore(%run_scoped3A : memref<!tpu.dma_semaphore, #tpu.memory_space<semaphore_mem>>) src(%arg7 : memref<12464xf32, #tpu.memory_space<vmem>>) dst(%dma_wait3A_71 : memref<12464xf32, #tpu.memory_space<hbm>>)
      tpu.yield
    }) : () -> ()
    return
  }
}

module attributes {stable_mosaic.version = 14 : i64} {
  func.func @body(%arg0: memref<1x96x224x224xf32, #tpu.memory_space<any>>, %arg1: memref<4x224x224xf32, #tpu.memory_space<vmem>>, %arg2: memref<4x8x224x224xf32, #tpu.memory_space<vmem>>, %arg3: memref<4x!tpu.dma_semaphore, #tpu.memory_space<semaphore_mem>>) attributes {dimension_semantics = [], scalar_prefetch = 0 : i64, scratch_operands = 2 : i64, tpu.core_type = #tpu.core_type<tc>} {
    %dma_start3A = arith.constant 0 : i32
    %dma_start3A_0 = arith.constant 0 : i32
    %dma_start3A_1 = arith.constant 0 : i32
    %dma_start3A_2 = tpu.memref_slice %arg3[%dma_start3A_1] : memref<4x!tpu.dma_semaphore, #tpu.memory_space<semaphore_mem>> -> memref<1x!tpu.dma_semaphore, #tpu.memory_space<semaphore_mem>>
    %dma_start3A_3 = tpu.memref_squeeze %dma_start3A_2 : memref<1x!tpu.dma_semaphore, #tpu.memory_space<semaphore_mem>> -> memref<!tpu.dma_semaphore, #tpu.memory_space<semaphore_mem>>
    %dma_start3A_4 = arith.constant 0 : i32
    %dma_start3A_5 = arith.constant 0 : i32
    %dma_start3A_6 = arith.constant 0 : i32
    %dma_start3A_7 = tpu.memref_slice %arg2[%dma_start3A_0, %dma_start3A_4, %dma_start3A_5, %dma_start3A_6] : memref<4x8x224x224xf32, #tpu.memory_space<vmem>> -> memref<1x8x224x224xf32, #tpu.memory_space<vmem>>
    %dma_start3A_8 = tpu.memref_squeeze %dma_start3A_7 : memref<1x8x224x224xf32, #tpu.memory_space<vmem>> -> memref<8x224x224xf32, #tpu.memory_space<vmem>>
    %dma_start3A_9 = arith.constant 0 : i32
    %dma_start3A_10 = arith.constant 0 : i32
    %dma_start3A_11 = arith.constant 0 : i32
    %dma_start3A_12 = tpu.memref_slice %arg0[%dma_start3A, %dma_start3A_9, %dma_start3A_10, %dma_start3A_11] : memref<1x96x224x224xf32, #tpu.memory_space<any>> -> memref<1x8x224x224xf32, #tpu.memory_space<any>>
    %dma_start3A_13 = tpu.memref_squeeze %dma_start3A_12 : memref<1x8x224x224xf32, #tpu.memory_space<any>> -> memref<8x224x224xf32, #tpu.memory_space<any>>
    tpu.enqueue_dma source(%dma_start3A_13 : memref<8x224x224xf32, #tpu.memory_space<any>>) target(%dma_start3A_8 : memref<8x224x224xf32, #tpu.memory_space<vmem>>) target_semaphore(%dma_start3A_3 : memref<!tpu.dma_semaphore, #tpu.memory_space<semaphore_mem>>)
    %dma_start3A_14 = arith.constant 0 : i32
    %dma_start3A_15 = arith.constant 1 : i32
    %dma_start3A_16 = arith.constant 1 : i32
    %dma_start3A_17 = tpu.memref_slice %arg3[%dma_start3A_16] : memref<4x!tpu.dma_semaphore, #tpu.memory_space<semaphore_mem>> -> memref<1x!tpu.dma_semaphore, #tpu.memory_space<semaphore_mem>>
    %dma_start3A_18 = tpu.memref_squeeze %dma_start3A_17 : memref<1x!tpu.dma_semaphore, #tpu.memory_space<semaphore_mem>> -> memref<!tpu.dma_semaphore, #tpu.memory_space<semaphore_mem>>
    %dma_start3A_19 = arith.constant 0 : i32
    %dma_start3A_20 = arith.constant 0 : i32
    %dma_start3A_21 = arith.constant 0 : i32
    %dma_start3A_22 = tpu.memref_slice %arg2[%dma_start3A_15, %dma_start3A_19, %dma_start3A_20, %dma_start3A_21] : memref<4x8x224x224xf32, #tpu.memory_space<vmem>> -> memref<1x8x224x224xf32, #tpu.memory_space<vmem>>
    %dma_start3A_23 = tpu.memref_squeeze %dma_start3A_22 : memref<1x8x224x224xf32, #tpu.memory_space<vmem>> -> memref<8x224x224xf32, #tpu.memory_space<vmem>>
    %dma_start3A_24 = arith.constant 8 : i32
    %dma_start3A_25 = arith.constant 0 : i32
    %dma_start3A_26 = arith.constant 0 : i32
    %dma_start3A_27 = tpu.memref_slice %arg0[%dma_start3A_14, %dma_start3A_24, %dma_start3A_25, %dma_start3A_26] : memref<1x96x224x224xf32, #tpu.memory_space<any>> -> memref<1x8x224x224xf32, #tpu.memory_space<any>>
    %dma_start3A_28 = tpu.memref_squeeze %dma_start3A_27 : memref<1x8x224x224xf32, #tpu.memory_space<any>> -> memref<8x224x224xf32, #tpu.memory_space<any>>
    tpu.enqueue_dma source(%dma_start3A_28 : memref<8x224x224xf32, #tpu.memory_space<any>>) target(%dma_start3A_23 : memref<8x224x224xf32, #tpu.memory_space<vmem>>) target_semaphore(%dma_start3A_18 : memref<!tpu.dma_semaphore, #tpu.memory_space<semaphore_mem>>)
    %dma_start3A_29 = arith.constant 0 : i32
    %dma_start3A_30 = arith.constant 2 : i32
    %dma_start3A_31 = arith.constant 2 : i32
    %dma_start3A_32 = tpu.memref_slice %arg3[%dma_start3A_31] : memref<4x!tpu.dma_semaphore, #tpu.memory_space<semaphore_mem>> -> memref<1x!tpu.dma_semaphore, #tpu.memory_space<semaphore_mem>>
    %dma_start3A_33 = tpu.memref_squeeze %dma_start3A_32 : memref<1x!tpu.dma_semaphore, #tpu.memory_space<semaphore_mem>> -> memref<!tpu.dma_semaphore, #tpu.memory_space<semaphore_mem>>
    %dma_start3A_34 = arith.constant 0 : i32
    %dma_start3A_35 = arith.constant 0 : i32
    %dma_start3A_36 = arith.constant 0 : i32
    %dma_start3A_37 = tpu.memref_slice %arg2[%dma_start3A_30, %dma_start3A_34, %dma_start3A_35, %dma_start3A_36] : memref<4x8x224x224xf32, #tpu.memory_space<vmem>> -> memref<1x8x224x224xf32, #tpu.memory_space<vmem>>
    %dma_start3A_38 = tpu.memref_squeeze %dma_start3A_37 : memref<1x8x224x224xf32, #tpu.memory_space<vmem>> -> memref<8x224x224xf32, #tpu.memory_space<vmem>>
    %dma_start3A_39 = arith.constant 16 : i32
    %dma_start3A_40 = arith.constant 0 : i32
    %dma_start3A_41 = arith.constant 0 : i32
    %dma_start3A_42 = tpu.memref_slice %arg0[%dma_start3A_29, %dma_start3A_39, %dma_start3A_40, %dma_start3A_41] : memref<1x96x224x224xf32, #tpu.memory_space<any>> -> memref<1x8x224x224xf32, #tpu.memory_space<any>>
    %dma_start3A_43 = tpu.memref_squeeze %dma_start3A_42 : memref<1x8x224x224xf32, #tpu.memory_space<any>> -> memref<8x224x224xf32, #tpu.memory_space<any>>
    tpu.enqueue_dma source(%dma_start3A_43 : memref<8x224x224xf32, #tpu.memory_space<any>>) target(%dma_start3A_38 : memref<8x224x224xf32, #tpu.memory_space<vmem>>) target_semaphore(%dma_start3A_33 : memref<!tpu.dma_semaphore, #tpu.memory_space<semaphore_mem>>)
    %dma_start3A_44 = arith.constant 0 : i32
    %dma_start3A_45 = arith.constant 3 : i32
    %dma_start3A_46 = arith.constant 3 : i32
    %dma_start3A_47 = tpu.memref_slice %arg3[%dma_start3A_46] : memref<4x!tpu.dma_semaphore, #tpu.memory_space<semaphore_mem>> -> memref<1x!tpu.dma_semaphore, #tpu.memory_space<semaphore_mem>>
    %dma_start3A_48 = tpu.memref_squeeze %dma_start3A_47 : memref<1x!tpu.dma_semaphore, #tpu.memory_space<semaphore_mem>> -> memref<!tpu.dma_semaphore, #tpu.memory_space<semaphore_mem>>
    %dma_start3A_49 = arith.constant 0 : i32
    %dma_start3A_50 = arith.constant 0 : i32
    %dma_start3A_51 = arith.constant 0 : i32
    %dma_start3A_52 = tpu.memref_slice %arg2[%dma_start3A_45, %dma_start3A_49, %dma_start3A_50, %dma_start3A_51] : memref<4x8x224x224xf32, #tpu.memory_space<vmem>> -> memref<1x8x224x224xf32, #tpu.memory_space<vmem>>
    %dma_start3A_53 = tpu.memref_squeeze %dma_start3A_52 : memref<1x8x224x224xf32, #tpu.memory_space<vmem>> -> memref<8x224x224xf32, #tpu.memory_space<vmem>>
    %dma_start3A_54 = arith.constant 24 : i32
    %dma_start3A_55 = arith.constant 0 : i32
    %dma_start3A_56 = arith.constant 0 : i32
    %dma_start3A_57 = tpu.memref_slice %arg0[%dma_start3A_44, %dma_start3A_54, %dma_start3A_55, %dma_start3A_56] : memref<1x96x224x224xf32, #tpu.memory_space<any>> -> memref<1x8x224x224xf32, #tpu.memory_space<any>>
    %dma_start3A_58 = tpu.memref_squeeze %dma_start3A_57 : memref<1x8x224x224xf32, #tpu.memory_space<any>> -> memref<8x224x224xf32, #tpu.memory_space<any>>
    tpu.enqueue_dma source(%dma_start3A_58 : memref<8x224x224xf32, #tpu.memory_space<any>>) target(%dma_start3A_53 : memref<8x224x224xf32, #tpu.memory_space<vmem>>) target_semaphore(%dma_start3A_48 : memref<!tpu.dma_semaphore, #tpu.memory_space<semaphore_mem>>)
    %broadcast_in_dim3A = arith.constant 0.000000e+00 : f32
    %broadcast_in_dim3A_59 = vector.broadcast %broadcast_in_dim3A : f32 to vector<4x224x224xf32>
    %swap3A = arith.constant 0 : index
    %swap3A_60 = arith.constant 0 : index
    %swap3A_61 = arith.constant 0 : index
    %swap3A_62 = vector.load %arg1[%swap3A, %swap3A_60, %swap3A_61] : memref<4x224x224xf32, #tpu.memory_space<vmem>>, vector<4x224x224xf32>
    tpu.vector_store %arg1[%swap3A, %swap3A_60, %swap3A_61], %broadcast_in_dim3A_59 {strides = array<i32>} : memref<4x224x224xf32, #tpu.memory_space<vmem>>, vector<4x224x224xf32>,
    %scan3A = arith.constant 0 : i32
    %scan3A_63 = arith.constant 12 : i32
    %scan3A_64 = arith.addi %scan3A, %scan3A_63 : i32
    %scan3A_65 = arith.constant 1 : i32
    scf.for %scan3A_67 = %scan3A to %scan3A_64 step %scan3A_65  : i32 {
      %rem3A = arith.constant 4 : i32
      %rem3A_68 = arith.remsi %scan3A_67, %rem3A : i32
      %eq3A = arith.constant 0 : i32
      %eq3A_69 = arith.cmpi eq, %rem3A_68, %eq3A : i32
      %convert_element_type3A = arith.extui %eq3A_69 : i1 to i32
      %cond3A = arith.constant 0 : i32
      %cond3A_70 = arith.cmpi ne, %convert_element_type3A, %cond3A : i32
      scf.if %cond3A_70 {
        %mul3A = arith.constant 8 : i32
        %mul3A_86 = arith.muli %scan3A_67, %mul3A : i32
        %dma_wait3A = arith.constant 0 : i32
        %dma_wait3A_87 = arith.constant 0 : i32
        %dma_wait3A_88 = arith.constant 0 : i32
        %dma_wait3A_89 = tpu.memref_slice %arg3[%dma_wait3A_88] : memref<4x!tpu.dma_semaphore, #tpu.memory_space<semaphore_mem>> -> memref<1x!tpu.dma_semaphore, #tpu.memory_space<semaphore_mem>>
        %dma_wait3A_90 = tpu.memref_squeeze %dma_wait3A_89 : memref<1x!tpu.dma_semaphore, #tpu.memory_space<semaphore_mem>> -> memref<!tpu.dma_semaphore, #tpu.memory_space<semaphore_mem>>
        %dma_wait3A_91 = arith.constant 0 : i32
        %dma_wait3A_92 = arith.constant 0 : i32
        %dma_wait3A_93 = arith.constant 0 : i32
        %dma_wait3A_94 = tpu.memref_slice %arg2[%dma_wait3A_87, %dma_wait3A_91, %dma_wait3A_92, %dma_wait3A_93] : memref<4x8x224x224xf32, #tpu.memory_space<vmem>> -> memref<1x8x224x224xf32, #tpu.memory_space<vmem>>
        %dma_wait3A_95 = tpu.memref_squeeze %dma_wait3A_94 : memref<1x8x224x224xf32, #tpu.memory_space<vmem>> -> memref<8x224x224xf32, #tpu.memory_space<vmem>>
        %dma_wait3A_96 = arith.constant 0 : i32
        %dma_wait3A_97 = arith.constant 0 : i32
        %dma_wait3A_98 = tpu.memref_slice %arg0[%dma_wait3A, %mul3A_86, %dma_wait3A_96, %dma_wait3A_97] : memref<1x96x224x224xf32, #tpu.memory_space<any>> -> memref<1x8x224x224xf32, #tpu.memory_space<any>>
        %dma_wait3A_99 = tpu.memref_squeeze %dma_wait3A_98 : memref<1x8x224x224xf32, #tpu.memory_space<any>> -> memref<8x224x224xf32, #tpu.memory_space<any>>
        tpu.wait_dma2 semaphore(%dma_wait3A_90 : memref<!tpu.dma_semaphore, #tpu.memory_space<semaphore_mem>>) src(%dma_wait3A_99 : memref<8x224x224xf32, #tpu.memory_space<any>>) dst(%dma_wait3A_95 : memref<8x224x224xf32, #tpu.memory_space<vmem>>)
        %get3A = arith.constant 0 : index
        %get3A_100 = arith.constant 0 : index
        %get3A_101 = arith.constant 0 : index
        %get3A_102 = arith.constant 0 : index
        %get3A_103 = vector.load %arg2[%get3A, %get3A_100, %get3A_101, %get3A_102] : memref<4x8x224x224xf32, #tpu.memory_space<vmem>>, vector<1x8x224x224xf32>
        %get3A_104 = vector.shape_cast %get3A_103 : vector<1x8x224x224xf32> to vector<8x224x224xf32>
        %slice3A = vector.extract_strided_slice %get3A_104 {offsets = [0, 0, 1], sizes = [8, 224, 223], strides = [1, 1, 1]} : vector<8x224x224xf32> to vector<8x224x223xf32>
        %slice3A_105 = vector.extract_strided_slice %get3A_104 {offsets = [0, 0, 0], sizes = [8, 224, 1], strides = [1, 1, 1]} : vector<8x224x224xf32> to vector<8x224x1xf32>
        %concatenate3A = tpu.concatenate %slice3A, %slice3A_105 in 2 : vector<8x224x223xf32>, vector<8x224x1xf32> -> vector<8x224x224xf32>
        %slice3A_106 = vector.extract_strided_slice %get3A_104 {offsets = [0, 1, 0], sizes = [8, 223, 224], strides = [1, 1, 1]} : vector<8x224x224xf32> to vector<8x223x224xf32>
        %slice3A_107 = vector.extract_strided_slice %get3A_104 {offsets = [0, 0, 0], sizes = [8, 1, 224], strides = [1, 1, 1]} : vector<8x224x224xf32> to vector<8x1x224xf32>
        %concatenate3A_108 = tpu.concatenate %slice3A_106, %slice3A_107 in 1 : vector<8x223x224xf32>, vector<8x1x224xf32> -> vector<8x224x224xf32>
        %slice3A_109 = vector.extract_strided_slice %concatenate3A_108 {offsets = [0, 0, 1], sizes = [8, 224, 223], strides = [1, 1, 1]} : vector<8x224x224xf32> to vector<8x224x223xf32>
        %slice3A_110 = vector.extract_strided_slice %concatenate3A_108 {offsets = [0, 0, 0], sizes = [8, 224, 1], strides = [1, 1, 1]} : vector<8x224x224xf32> to vector<8x224x1xf32>
        %concatenate3A_111 = tpu.concatenate %slice3A_109, %slice3A_110 in 2 : vector<8x224x223xf32>, vector<8x224x1xf32> -> vector<8x224x224xf32>
        %get3A_112 = arith.constant 0 : index
        %get3A_113 = arith.constant 0 : index
        %get3A_114 = arith.constant 0 : index
        %get3A_115 = vector.load %arg1[%get3A_112, %get3A_113, %get3A_114] : memref<4x224x224xf32, #tpu.memory_space<vmem>>, vector<1x224x224xf32>
        %get3A_116 = vector.shape_cast %get3A_115 : vector<1x224x224xf32> to vector<224x224xf32>
        %sub3A = arith.subf %get3A_104, %concatenate3A : vector<8x224x224xf32>
        %abs3A = math.absf %sub3A : vector<8x224x224xf32>
        %reduce_sum3A = arith.constant dense<0.000000e+00> : vector<224x224xf32>
        %reduce_sum3A_117 = vector.multi_reduction <add>, %abs3A, %reduce_sum3A [0] : vector<8x224x224xf32> to vector<224x224xf32>
        %mul3A_118 = arith.constant 0.010416667 : f32
        %mul3A_119 = vector.broadcast %mul3A_118 : f32 to vector<224x224xf32>
        %mul3A_120 = arith.mulf %mul3A_119, %reduce_sum3A_117 : vector<224x224xf32>
        %add3A = arith.addf %get3A_116, %mul3A_120 : vector<224x224xf32>
        %swap3A_121 = arith.constant 0 : index
        %swap3A_122 = arith.constant 0 : index
        %swap3A_123 = arith.constant 0 : index
        %swap3A_124 = vector.load %arg1[%swap3A_121, %swap3A_122, %swap3A_123] : memref<4x224x224xf32, #tpu.memory_space<vmem>>, vector<1x224x224xf32>
        %swap3A_125 = vector.shape_cast %swap3A_124 : vector<1x224x224xf32> to vector<224x224xf32>
        %swap3A_126 = vector.shape_cast %add3A : vector<224x224xf32> to vector<1x224x224xf32>
        tpu.vector_store %arg1[%swap3A_121, %swap3A_122, %swap3A_123], %swap3A_126 {strides = array<i32>} : memref<4x224x224xf32, #tpu.memory_space<vmem>>, vector<1x224x224xf32>,
        %get3A_127 = arith.constant 1 : index
        %get3A_128 = arith.constant 0 : index
        %get3A_129 = arith.constant 0 : index
        %get3A_130 = vector.load %arg1[%get3A_127, %get3A_128, %get3A_129] : memref<4x224x224xf32, #tpu.memory_space<vmem>>, vector<1x224x224xf32>
        %get3A_131 = vector.shape_cast %get3A_130 : vector<1x224x224xf32> to vector<224x224xf32>
        %sub3A_132 = arith.subf %concatenate3A, %concatenate3A_108 : vector<8x224x224xf32>
        %abs3A_133 = math.absf %sub3A_132 : vector<8x224x224xf32>
        %reduce_sum3A_134 = arith.constant dense<0.000000e+00> : vector<224x224xf32>
        %reduce_sum3A_135 = vector.multi_reduction <add>, %abs3A_133, %reduce_sum3A_134 [0] : vector<8x224x224xf32> to vector<224x224xf32>
        %mul3A_136 = arith.constant 0.010416667 : f32
        %mul3A_137 = vector.broadcast %mul3A_136 : f32 to vector<224x224xf32>
        %mul3A_138 = arith.mulf %mul3A_137, %reduce_sum3A_135 : vector<224x224xf32>
        %add3A_139 = arith.addf %get3A_131, %mul3A_138 : vector<224x224xf32>
        %swap3A_140 = arith.constant 1 : index
        %swap3A_141 = arith.constant 0 : index
        %swap3A_142 = arith.constant 0 : index
        %swap3A_143 = vector.load %arg1[%swap3A_140, %swap3A_141, %swap3A_142] : memref<4x224x224xf32, #tpu.memory_space<vmem>>, vector<1x224x224xf32>
        %swap3A_144 = vector.shape_cast %swap3A_143 : vector<1x224x224xf32> to vector<224x224xf32>
        %swap3A_145 = vector.shape_cast %add3A_139 : vector<224x224xf32> to vector<1x224x224xf32>
        tpu.vector_store %arg1[%swap3A_140, %swap3A_141, %swap3A_142], %swap3A_145 {strides = array<i32>} : memref<4x224x224xf32, #tpu.memory_space<vmem>>, vector<1x224x224xf32>,
        %get3A_146 = arith.constant 2 : index
        %get3A_147 = arith.constant 0 : index
        %get3A_148 = arith.constant 0 : index
        %get3A_149 = vector.load %arg1[%get3A_146, %get3A_147, %get3A_148] : memref<4x224x224xf32, #tpu.memory_space<vmem>>, vector<1x224x224xf32>
        %get3A_150 = vector.shape_cast %get3A_149 : vector<1x224x224xf32> to vector<224x224xf32>
        %sub3A_151 = arith.subf %get3A_104, %concatenate3A_108 : vector<8x224x224xf32>
        %abs3A_152 = math.absf %sub3A_151 : vector<8x224x224xf32>
        %reduce_sum3A_153 = arith.constant dense<0.000000e+00> : vector<224x224xf32>
        %reduce_sum3A_154 = vector.multi_reduction <add>, %abs3A_152, %reduce_sum3A_153 [0] : vector<8x224x224xf32> to vector<224x224xf32>
        %mul3A_155 = arith.constant 0.010416667 : f32
        %mul3A_156 = vector.broadcast %mul3A_155 : f32 to vector<224x224xf32>
        %mul3A_157 = arith.mulf %mul3A_156, %reduce_sum3A_154 : vector<224x224xf32>
        %add3A_158 = arith.addf %get3A_150, %mul3A_157 : vector<224x224xf32>
        %swap3A_159 = arith.constant 2 : index
        %swap3A_160 = arith.constant 0 : index
        %swap3A_161 = arith.constant 0 : index
        %swap3A_162 = vector.load %arg1[%swap3A_159, %swap3A_160, %swap3A_161] : memref<4x224x224xf32, #tpu.memory_space<vmem>>, vector<1x224x224xf32>
        %swap3A_163 = vector.shape_cast %swap3A_162 : vector<1x224x224xf32> to vector<224x224xf32>
        %swap3A_164 = vector.shape_cast %add3A_158 : vector<224x224xf32> to vector<1x224x224xf32>
        tpu.vector_store %arg1[%swap3A_159, %swap3A_160, %swap3A_161], %swap3A_164 {strides = array<i32>} : memref<4x224x224xf32, #tpu.memory_space<vmem>>, vector<1x224x224xf32>,
        %get3A_165 = arith.constant 3 : index
        %get3A_166 = arith.constant 0 : index
        %get3A_167 = arith.constant 0 : index
        %get3A_168 = vector.load %arg1[%get3A_165, %get3A_166, %get3A_167] : memref<4x224x224xf32, #tpu.memory_space<vmem>>, vector<1x224x224xf32>
        %get3A_169 = vector.shape_cast %get3A_168 : vector<1x224x224xf32> to vector<224x224xf32>
        %sub3A_170 = arith.subf %get3A_104, %concatenate3A_111 : vector<8x224x224xf32>
        %abs3A_171 = math.absf %sub3A_170 : vector<8x224x224xf32>
        %reduce_sum3A_172 = arith.constant dense<0.000000e+00> : vector<224x224xf32>
        %reduce_sum3A_173 = vector.multi_reduction <add>, %abs3A_171, %reduce_sum3A_172 [0] : vector<8x224x224xf32> to vector<224x224xf32>
        %mul3A_174 = arith.constant 0.010416667 : f32
        %mul3A_175 = vector.broadcast %mul3A_174 : f32 to vector<224x224xf32>
        %mul3A_176 = arith.mulf %mul3A_175, %reduce_sum3A_173 : vector<224x224xf32>
        %add3A_177 = arith.addf %get3A_169, %mul3A_176 : vector<224x224xf32>
        %swap3A_178 = arith.constant 3 : index
        %swap3A_179 = arith.constant 0 : index
        %swap3A_180 = arith.constant 0 : index
        %swap3A_181 = vector.load %arg1[%swap3A_178, %swap3A_179, %swap3A_180] : memref<4x224x224xf32, #tpu.memory_space<vmem>>, vector<1x224x224xf32>
        %swap3A_182 = vector.shape_cast %swap3A_181 : vector<1x224x224xf32> to vector<224x224xf32>
        %swap3A_183 = vector.shape_cast %add3A_177 : vector<224x224xf32> to vector<1x224x224xf32>
        tpu.vector_store %arg1[%swap3A_178, %swap3A_179, %swap3A_180], %swap3A_183 {strides = array<i32>} : memref<4x224x224xf32, #tpu.memory_space<vmem>>, vector<1x224x224xf32>,
        %add3A_184 = arith.constant 4 : i32
        %add3A_185 = arith.addi %scan3A_67, %add3A_184 : i32
        %lt3A = arith.constant 12 : i32
        %lt3A_186 = arith.cmpi slt, %add3A_185, %lt3A : i32
        %convert_element_type3A_187 = arith.extui %lt3A_186 : i1 to i32
        %cond3A_188 = arith.constant 0 : i32
        %cond3A_189 = arith.cmpi ne, %convert_element_type3A_187, %cond3A_188 : i32
        scf.if %cond3A_189 {
          %mul3A_190 = arith.constant 8 : i32
          %mul3A_191 = arith.muli %add3A_185, %mul3A_190 : i32
          %dma_start3A_192 = arith.constant 0 : i32
          %dma_start3A_193 = arith.constant 0 : i32
          %dma_start3A_194 = arith.constant 0 : i32
          %dma_start3A_195 = tpu.memref_slice %arg3[%dma_start3A_194] : memref<4x!tpu.dma_semaphore, #tpu.memory_space<semaphore_mem>> -> memref<1x!tpu.dma_semaphore, #tpu.memory_space<semaphore_mem>>
          %dma_start3A_196 = tpu.memref_squeeze %dma_start3A_195 : memref<1x!tpu.dma_semaphore, #tpu.memory_space<semaphore_mem>> -> memref<!tpu.dma_semaphore, #tpu.memory_space<semaphore_mem>>
          %dma_start3A_197 = arith.constant 0 : i32
          %dma_start3A_198 = arith.constant 0 : i32
          %dma_start3A_199 = arith.constant 0 : i32
          %dma_start3A_200 = tpu.memref_slice %arg2[%dma_start3A_193, %dma_start3A_197, %dma_start3A_198, %dma_start3A_199] : memref<4x8x224x224xf32, #tpu.memory_space<vmem>> -> memref<1x8x224x224xf32, #tpu.memory_space<vmem>>
          %dma_start3A_201 = tpu.memref_squeeze %dma_start3A_200 : memref<1x8x224x224xf32, #tpu.memory_space<vmem>> -> memref<8x224x224xf32, #tpu.memory_space<vmem>>
          %dma_start3A_202 = arith.constant 0 : i32
          %dma_start3A_203 = arith.constant 0 : i32
          %dma_start3A_204 = tpu.memref_slice %arg0[%dma_start3A_192, %mul3A_191, %dma_start3A_202, %dma_start3A_203] : memref<1x96x224x224xf32, #tpu.memory_space<any>> -> memref<1x8x224x224xf32, #tpu.memory_space<any>>
          %dma_start3A_205 = tpu.memref_squeeze %dma_start3A_204 : memref<1x8x224x224xf32, #tpu.memory_space<any>> -> memref<8x224x224xf32, #tpu.memory_space<any>>
          tpu.enqueue_dma source(%dma_start3A_205 : memref<8x224x224xf32, #tpu.memory_space<any>>) target(%dma_start3A_201 : memref<8x224x224xf32, #tpu.memory_space<vmem>>) target_semaphore(%dma_start3A_196 : memref<!tpu.dma_semaphore, #tpu.memory_space<semaphore_mem>>)
        } else {
        }
      } else {
      }
      %eq3A_71 = arith.constant 1 : i32
      %eq3A_72 = arith.cmpi eq, %rem3A_68, %eq3A_71 : i32
      %convert_element_type3A_73 = arith.extui %eq3A_72 : i1 to i32
      %cond3A_74 = arith.constant 0 : i32
      %cond3A_75 = arith.cmpi ne, %convert_element_type3A_73, %cond3A_74 : i32
      scf.if %cond3A_75 {
        %mul3A = arith.constant 8 : i32
        %mul3A_86 = arith.muli %scan3A_67, %mul3A : i32
        %dma_wait3A = arith.constant 0 : i32
        %dma_wait3A_87 = arith.constant 1 : i32
        %dma_wait3A_88 = arith.constant 1 : i32
        %dma_wait3A_89 = tpu.memref_slice %arg3[%dma_wait3A_88] : memref<4x!tpu.dma_semaphore, #tpu.memory_space<semaphore_mem>> -> memref<1x!tpu.dma_semaphore, #tpu.memory_space<semaphore_mem>>
        %dma_wait3A_90 = tpu.memref_squeeze %dma_wait3A_89 : memref<1x!tpu.dma_semaphore, #tpu.memory_space<semaphore_mem>> -> memref<!tpu.dma_semaphore, #tpu.memory_space<semaphore_mem>>
        %dma_wait3A_91 = arith.constant 0 : i32
        %dma_wait3A_92 = arith.constant 0 : i32
        %dma_wait3A_93 = arith.constant 0 : i32
        %dma_wait3A_94 = tpu.memref_slice %arg2[%dma_wait3A_87, %dma_wait3A_91, %dma_wait3A_92, %dma_wait3A_93] : memref<4x8x224x224xf32, #tpu.memory_space<vmem>> -> memref<1x8x224x224xf32, #tpu.memory_space<vmem>>
        %dma_wait3A_95 = tpu.memref_squeeze %dma_wait3A_94 : memref<1x8x224x224xf32, #tpu.memory_space<vmem>> -> memref<8x224x224xf32, #tpu.memory_space<vmem>>
        %dma_wait3A_96 = arith.constant 0 : i32
        %dma_wait3A_97 = arith.constant 0 : i32
        %dma_wait3A_98 = tpu.memref_slice %arg0[%dma_wait3A, %mul3A_86, %dma_wait3A_96, %dma_wait3A_97] : memref<1x96x224x224xf32, #tpu.memory_space<any>> -> memref<1x8x224x224xf32, #tpu.memory_space<any>>
        %dma_wait3A_99 = tpu.memref_squeeze %dma_wait3A_98 : memref<1x8x224x224xf32, #tpu.memory_space<any>> -> memref<8x224x224xf32, #tpu.memory_space<any>>
        tpu.wait_dma2 semaphore(%dma_wait3A_90 : memref<!tpu.dma_semaphore, #tpu.memory_space<semaphore_mem>>) src(%dma_wait3A_99 : memref<8x224x224xf32, #tpu.memory_space<any>>) dst(%dma_wait3A_95 : memref<8x224x224xf32, #tpu.memory_space<vmem>>)
        %get3A = arith.constant 1 : index
        %get3A_100 = arith.constant 0 : index
        %get3A_101 = arith.constant 0 : index
        %get3A_102 = arith.constant 0 : index
        %get3A_103 = vector.load %arg2[%get3A, %get3A_100, %get3A_101, %get3A_102] : memref<4x8x224x224xf32, #tpu.memory_space<vmem>>, vector<1x8x224x224xf32>
        %get3A_104 = vector.shape_cast %get3A_103 : vector<1x8x224x224xf32> to vector<8x224x224xf32>
        %slice3A = vector.extract_strided_slice %get3A_104 {offsets = [0, 0, 1], sizes = [8, 224, 223], strides = [1, 1, 1]} : vector<8x224x224xf32> to vector<8x224x223xf32>
        %slice3A_105 = vector.extract_strided_slice %get3A_104 {offsets = [0, 0, 0], sizes = [8, 224, 1], strides = [1, 1, 1]} : vector<8x224x224xf32> to vector<8x224x1xf32>
        %concatenate3A = tpu.concatenate %slice3A, %slice3A_105 in 2 : vector<8x224x223xf32>, vector<8x224x1xf32> -> vector<8x224x224xf32>
        %slice3A_106 = vector.extract_strided_slice %get3A_104 {offsets = [0, 1, 0], sizes = [8, 223, 224], strides = [1, 1, 1]} : vector<8x224x224xf32> to vector<8x223x224xf32>
        %slice3A_107 = vector.extract_strided_slice %get3A_104 {offsets = [0, 0, 0], sizes = [8, 1, 224], strides = [1, 1, 1]} : vector<8x224x224xf32> to vector<8x1x224xf32>
        %concatenate3A_108 = tpu.concatenate %slice3A_106, %slice3A_107 in 1 : vector<8x223x224xf32>, vector<8x1x224xf32> -> vector<8x224x224xf32>
        %slice3A_109 = vector.extract_strided_slice %concatenate3A_108 {offsets = [0, 0, 1], sizes = [8, 224, 223], strides = [1, 1, 1]} : vector<8x224x224xf32> to vector<8x224x223xf32>
        %slice3A_110 = vector.extract_strided_slice %concatenate3A_108 {offsets = [0, 0, 0], sizes = [8, 224, 1], strides = [1, 1, 1]} : vector<8x224x224xf32> to vector<8x224x1xf32>
        %concatenate3A_111 = tpu.concatenate %slice3A_109, %slice3A_110 in 2 : vector<8x224x223xf32>, vector<8x224x1xf32> -> vector<8x224x224xf32>
        %get3A_112 = arith.constant 0 : index
        %get3A_113 = arith.constant 0 : index
        %get3A_114 = arith.constant 0 : index
        %get3A_115 = vector.load %arg1[%get3A_112, %get3A_113, %get3A_114] : memref<4x224x224xf32, #tpu.memory_space<vmem>>, vector<1x224x224xf32>
        %get3A_116 = vector.shape_cast %get3A_115 : vector<1x224x224xf32> to vector<224x224xf32>
        %sub3A = arith.subf %get3A_104, %concatenate3A : vector<8x224x224xf32>
        %abs3A = math.absf %sub3A : vector<8x224x224xf32>
        %reduce_sum3A = arith.constant dense<0.000000e+00> : vector<224x224xf32>
        %reduce_sum3A_117 = vector.multi_reduction <add>, %abs3A, %reduce_sum3A [0] : vector<8x224x224xf32> to vector<224x224xf32>
        %mul3A_118 = arith.constant 0.010416667 : f32
        %mul3A_119 = vector.broadcast %mul3A_118 : f32 to vector<224x224xf32>
        %mul3A_120 = arith.mulf %mul3A_119, %reduce_sum3A_117 : vector<224x224xf32>
        %add3A = arith.addf %get3A_116, %mul3A_120 : vector<224x224xf32>
        %swap3A_121 = arith.constant 0 : index
        %swap3A_122 = arith.constant 0 : index
        %swap3A_123 = arith.constant 0 : index
        %swap3A_124 = vector.load %arg1[%swap3A_121, %swap3A_122, %swap3A_123] : memref<4x224x224xf32, #tpu.memory_space<vmem>>, vector<1x224x224xf32>
        %swap3A_125 = vector.shape_cast %swap3A_124 : vector<1x224x224xf32> to vector<224x224xf32>
        %swap3A_126 = vector.shape_cast %add3A : vector<224x224xf32> to vector<1x224x224xf32>
        tpu.vector_store %arg1[%swap3A_121, %swap3A_122, %swap3A_123], %swap3A_126 {strides = array<i32>} : memref<4x224x224xf32, #tpu.memory_space<vmem>>, vector<1x224x224xf32>,
        %get3A_127 = arith.constant 1 : index
        %get3A_128 = arith.constant 0 : index
        %get3A_129 = arith.constant 0 : index
        %get3A_130 = vector.load %arg1[%get3A_127, %get3A_128, %get3A_129] : memref<4x224x224xf32, #tpu.memory_space<vmem>>, vector<1x224x224xf32>
        %get3A_131 = vector.shape_cast %get3A_130 : vector<1x224x224xf32> to vector<224x224xf32>
        %sub3A_132 = arith.subf %concatenate3A, %concatenate3A_108 : vector<8x224x224xf32>
        %abs3A_133 = math.absf %sub3A_132 : vector<8x224x224xf32>
        %reduce_sum3A_134 = arith.constant dense<0.000000e+00> : vector<224x224xf32>
        %reduce_sum3A_135 = vector.multi_reduction <add>, %abs3A_133, %reduce_sum3A_134 [0] : vector<8x224x224xf32> to vector<224x224xf32>
        %mul3A_136 = arith.constant 0.010416667 : f32
        %mul3A_137 = vector.broadcast %mul3A_136 : f32 to vector<224x224xf32>
        %mul3A_138 = arith.mulf %mul3A_137, %reduce_sum3A_135 : vector<224x224xf32>
        %add3A_139 = arith.addf %get3A_131, %mul3A_138 : vector<224x224xf32>
        %swap3A_140 = arith.constant 1 : index
        %swap3A_141 = arith.constant 0 : index
        %swap3A_142 = arith.constant 0 : index
        %swap3A_143 = vector.load %arg1[%swap3A_140, %swap3A_141, %swap3A_142] : memref<4x224x224xf32, #tpu.memory_space<vmem>>, vector<1x224x224xf32>
        %swap3A_144 = vector.shape_cast %swap3A_143 : vector<1x224x224xf32> to vector<224x224xf32>
        %swap3A_145 = vector.shape_cast %add3A_139 : vector<224x224xf32> to vector<1x224x224xf32>
        tpu.vector_store %arg1[%swap3A_140, %swap3A_141, %swap3A_142], %swap3A_145 {strides = array<i32>} : memref<4x224x224xf32, #tpu.memory_space<vmem>>, vector<1x224x224xf32>,
        %get3A_146 = arith.constant 2 : index
        %get3A_147 = arith.constant 0 : index
        %get3A_148 = arith.constant 0 : index
        %get3A_149 = vector.load %arg1[%get3A_146, %get3A_147, %get3A_148] : memref<4x224x224xf32, #tpu.memory_space<vmem>>, vector<1x224x224xf32>
        %get3A_150 = vector.shape_cast %get3A_149 : vector<1x224x224xf32> to vector<224x224xf32>
        %sub3A_151 = arith.subf %get3A_104, %concatenate3A_108 : vector<8x224x224xf32>
        %abs3A_152 = math.absf %sub3A_151 : vector<8x224x224xf32>
        %reduce_sum3A_153 = arith.constant dense<0.000000e+00> : vector<224x224xf32>
        %reduce_sum3A_154 = vector.multi_reduction <add>, %abs3A_152, %reduce_sum3A_153 [0] : vector<8x224x224xf32> to vector<224x224xf32>
        %mul3A_155 = arith.constant 0.010416667 : f32
        %mul3A_156 = vector.broadcast %mul3A_155 : f32 to vector<224x224xf32>
        %mul3A_157 = arith.mulf %mul3A_156, %reduce_sum3A_154 : vector<224x224xf32>
        %add3A_158 = arith.addf %get3A_150, %mul3A_157 : vector<224x224xf32>
        %swap3A_159 = arith.constant 2 : index
        %swap3A_160 = arith.constant 0 : index
        %swap3A_161 = arith.constant 0 : index
        %swap3A_162 = vector.load %arg1[%swap3A_159, %swap3A_160, %swap3A_161] : memref<4x224x224xf32, #tpu.memory_space<vmem>>, vector<1x224x224xf32>
        %swap3A_163 = vector.shape_cast %swap3A_162 : vector<1x224x224xf32> to vector<224x224xf32>
        %swap3A_164 = vector.shape_cast %add3A_158 : vector<224x224xf32> to vector<1x224x224xf32>
        tpu.vector_store %arg1[%swap3A_159, %swap3A_160, %swap3A_161], %swap3A_164 {strides = array<i32>} : memref<4x224x224xf32, #tpu.memory_space<vmem>>, vector<1x224x224xf32>,
        %get3A_165 = arith.constant 3 : index
        %get3A_166 = arith.constant 0 : index
        %get3A_167 = arith.constant 0 : index
        %get3A_168 = vector.load %arg1[%get3A_165, %get3A_166, %get3A_167] : memref<4x224x224xf32, #tpu.memory_space<vmem>>, vector<1x224x224xf32>
        %get3A_169 = vector.shape_cast %get3A_168 : vector<1x224x224xf32> to vector<224x224xf32>
        %sub3A_170 = arith.subf %get3A_104, %concatenate3A_111 : vector<8x224x224xf32>
        %abs3A_171 = math.absf %sub3A_170 : vector<8x224x224xf32>
        %reduce_sum3A_172 = arith.constant dense<0.000000e+00> : vector<224x224xf32>
        %reduce_sum3A_173 = vector.multi_reduction <add>, %abs3A_171, %reduce_sum3A_172 [0] : vector<8x224x224xf32> to vector<224x224xf32>
        %mul3A_174 = arith.constant 0.010416667 : f32
        %mul3A_175 = vector.broadcast %mul3A_174 : f32 to vector<224x224xf32>
        %mul3A_176 = arith.mulf %mul3A_175, %reduce_sum3A_173 : vector<224x224xf32>
        %add3A_177 = arith.addf %get3A_169, %mul3A_176 : vector<224x224xf32>
        %swap3A_178 = arith.constant 3 : index
        %swap3A_179 = arith.constant 0 : index
        %swap3A_180 = arith.constant 0 : index
        %swap3A_181 = vector.load %arg1[%swap3A_178, %swap3A_179, %swap3A_180] : memref<4x224x224xf32, #tpu.memory_space<vmem>>, vector<1x224x224xf32>
        %swap3A_182 = vector.shape_cast %swap3A_181 : vector<1x224x224xf32> to vector<224x224xf32>
        %swap3A_183 = vector.shape_cast %add3A_177 : vector<224x224xf32> to vector<1x224x224xf32>
        tpu.vector_store %arg1[%swap3A_178, %swap3A_179, %swap3A_180], %swap3A_183 {strides = array<i32>} : memref<4x224x224xf32, #tpu.memory_space<vmem>>, vector<1x224x224xf32>,
        %add3A_184 = arith.constant 4 : i32
        %add3A_185 = arith.addi %scan3A_67, %add3A_184 : i32
        %lt3A = arith.constant 12 : i32
        %lt3A_186 = arith.cmpi slt, %add3A_185, %lt3A : i32
        %convert_element_type3A_187 = arith.extui %lt3A_186 : i1 to i32
        %cond3A_188 = arith.constant 0 : i32
        %cond3A_189 = arith.cmpi ne, %convert_element_type3A_187, %cond3A_188 : i32
        scf.if %cond3A_189 {
          %mul3A_190 = arith.constant 8 : i32
          %mul3A_191 = arith.muli %add3A_185, %mul3A_190 : i32
          %dma_start3A_192 = arith.constant 0 : i32
          %dma_start3A_193 = arith.constant 1 : i32
          %dma_start3A_194 = arith.constant 1 : i32
          %dma_start3A_195 = tpu.memref_slice %arg3[%dma_start3A_194] : memref<4x!tpu.dma_semaphore, #tpu.memory_space<semaphore_mem>> -> memref<1x!tpu.dma_semaphore, #tpu.memory_space<semaphore_mem>>
          %dma_start3A_196 = tpu.memref_squeeze %dma_start3A_195 : memref<1x!tpu.dma_semaphore, #tpu.memory_space<semaphore_mem>> -> memref<!tpu.dma_semaphore, #tpu.memory_space<semaphore_mem>>
          %dma_start3A_197 = arith.constant 0 : i32
          %dma_start3A_198 = arith.constant 0 : i32
          %dma_start3A_199 = arith.constant 0 : i32
          %dma_start3A_200 = tpu.memref_slice %arg2[%dma_start3A_193, %dma_start3A_197, %dma_start3A_198, %dma_start3A_199] : memref<4x8x224x224xf32, #tpu.memory_space<vmem>> -> memref<1x8x224x224xf32, #tpu.memory_space<vmem>>
          %dma_start3A_201 = tpu.memref_squeeze %dma_start3A_200 : memref<1x8x224x224xf32, #tpu.memory_space<vmem>> -> memref<8x224x224xf32, #tpu.memory_space<vmem>>
          %dma_start3A_202 = arith.constant 0 : i32
          %dma_start3A_203 = arith.constant 0 : i32
          %dma_start3A_204 = tpu.memref_slice %arg0[%dma_start3A_192, %mul3A_191, %dma_start3A_202, %dma_start3A_203] : memref<1x96x224x224xf32, #tpu.memory_space<any>> -> memref<1x8x224x224xf32, #tpu.memory_space<any>>
          %dma_start3A_205 = tpu.memref_squeeze %dma_start3A_204 : memref<1x8x224x224xf32, #tpu.memory_space<any>> -> memref<8x224x224xf32, #tpu.memory_space<any>>
          tpu.enqueue_dma source(%dma_start3A_205 : memref<8x224x224xf32, #tpu.memory_space<any>>) target(%dma_start3A_201 : memref<8x224x224xf32, #tpu.memory_space<vmem>>) target_semaphore(%dma_start3A_196 : memref<!tpu.dma_semaphore, #tpu.memory_space<semaphore_mem>>)
        } else {
        }
      } else {
      }
      %eq3A_76 = arith.constant 2 : i32
      %eq3A_77 = arith.cmpi eq, %rem3A_68, %eq3A_76 : i32
      %convert_element_type3A_78 = arith.extui %eq3A_77 : i1 to i32
      %cond3A_79 = arith.constant 0 : i32
      %cond3A_80 = arith.cmpi ne, %convert_element_type3A_78, %cond3A_79 : i32
      scf.if %cond3A_80 {
        %mul3A = arith.constant 8 : i32
        %mul3A_86 = arith.muli %scan3A_67, %mul3A : i32
        %dma_wait3A = arith.constant 0 : i32
        %dma_wait3A_87 = arith.constant 2 : i32
        %dma_wait3A_88 = arith.constant 2 : i32
        %dma_wait3A_89 = tpu.memref_slice %arg3[%dma_wait3A_88] : memref<4x!tpu.dma_semaphore, #tpu.memory_space<semaphore_mem>> -> memref<1x!tpu.dma_semaphore, #tpu.memory_space<semaphore_mem>>
        %dma_wait3A_90 = tpu.memref_squeeze %dma_wait3A_89 : memref<1x!tpu.dma_semaphore, #tpu.memory_space<semaphore_mem>> -> memref<!tpu.dma_semaphore, #tpu.memory_space<semaphore_mem>>
        %dma_wait3A_91 = arith.constant 0 : i32
        %dma_wait3A_92 = arith.constant 0 : i32
        %dma_wait3A_93 = arith.constant 0 : i32
        %dma_wait3A_94 = tpu.memref_slice %arg2[%dma_wait3A_87, %dma_wait3A_91, %dma_wait3A_92, %dma_wait3A_93] : memref<4x8x224x224xf32, #tpu.memory_space<vmem>> -> memref<1x8x224x224xf32, #tpu.memory_space<vmem>>
        %dma_wait3A_95 = tpu.memref_squeeze %dma_wait3A_94 : memref<1x8x224x224xf32, #tpu.memory_space<vmem>> -> memref<8x224x224xf32, #tpu.memory_space<vmem>>
        %dma_wait3A_96 = arith.constant 0 : i32
        %dma_wait3A_97 = arith.constant 0 : i32
        %dma_wait3A_98 = tpu.memref_slice %arg0[%dma_wait3A, %mul3A_86, %dma_wait3A_96, %dma_wait3A_97] : memref<1x96x224x224xf32, #tpu.memory_space<any>> -> memref<1x8x224x224xf32, #tpu.memory_space<any>>
        %dma_wait3A_99 = tpu.memref_squeeze %dma_wait3A_98 : memref<1x8x224x224xf32, #tpu.memory_space<any>> -> memref<8x224x224xf32, #tpu.memory_space<any>>
        tpu.wait_dma2 semaphore(%dma_wait3A_90 : memref<!tpu.dma_semaphore, #tpu.memory_space<semaphore_mem>>) src(%dma_wait3A_99 : memref<8x224x224xf32, #tpu.memory_space<any>>) dst(%dma_wait3A_95 : memref<8x224x224xf32, #tpu.memory_space<vmem>>)
        %get3A = arith.constant 2 : index
        %get3A_100 = arith.constant 0 : index
        %get3A_101 = arith.constant 0 : index
        %get3A_102 = arith.constant 0 : index
        %get3A_103 = vector.load %arg2[%get3A, %get3A_100, %get3A_101, %get3A_102] : memref<4x8x224x224xf32, #tpu.memory_space<vmem>>, vector<1x8x224x224xf32>
        %get3A_104 = vector.shape_cast %get3A_103 : vector<1x8x224x224xf32> to vector<8x224x224xf32>
        %slice3A = vector.extract_strided_slice %get3A_104 {offsets = [0, 0, 1], sizes = [8, 224, 223], strides = [1, 1, 1]} : vector<8x224x224xf32> to vector<8x224x223xf32>
        %slice3A_105 = vector.extract_strided_slice %get3A_104 {offsets = [0, 0, 0], sizes = [8, 224, 1], strides = [1, 1, 1]} : vector<8x224x224xf32> to vector<8x224x1xf32>
        %concatenate3A = tpu.concatenate %slice3A, %slice3A_105 in 2 : vector<8x224x223xf32>, vector<8x224x1xf32> -> vector<8x224x224xf32>
        %slice3A_106 = vector.extract_strided_slice %get3A_104 {offsets = [0, 1, 0], sizes = [8, 223, 224], strides = [1, 1, 1]} : vector<8x224x224xf32> to vector<8x223x224xf32>
        %slice3A_107 = vector.extract_strided_slice %get3A_104 {offsets = [0, 0, 0], sizes = [8, 1, 224], strides = [1, 1, 1]} : vector<8x224x224xf32> to vector<8x1x224xf32>
        %concatenate3A_108 = tpu.concatenate %slice3A_106, %slice3A_107 in 1 : vector<8x223x224xf32>, vector<8x1x224xf32> -> vector<8x224x224xf32>
        %slice3A_109 = vector.extract_strided_slice %concatenate3A_108 {offsets = [0, 0, 1], sizes = [8, 224, 223], strides = [1, 1, 1]} : vector<8x224x224xf32> to vector<8x224x223xf32>
        %slice3A_110 = vector.extract_strided_slice %concatenate3A_108 {offsets = [0, 0, 0], sizes = [8, 224, 1], strides = [1, 1, 1]} : vector<8x224x224xf32> to vector<8x224x1xf32>
        %concatenate3A_111 = tpu.concatenate %slice3A_109, %slice3A_110 in 2 : vector<8x224x223xf32>, vector<8x224x1xf32> -> vector<8x224x224xf32>
        %get3A_112 = arith.constant 0 : index
        %get3A_113 = arith.constant 0 : index
        %get3A_114 = arith.constant 0 : index
        %get3A_115 = vector.load %arg1[%get3A_112, %get3A_113, %get3A_114] : memref<4x224x224xf32, #tpu.memory_space<vmem>>, vector<1x224x224xf32>
        %get3A_116 = vector.shape_cast %get3A_115 : vector<1x224x224xf32> to vector<224x224xf32>
        %sub3A = arith.subf %get3A_104, %concatenate3A : vector<8x224x224xf32>
        %abs3A = math.absf %sub3A : vector<8x224x224xf32>
        %reduce_sum3A = arith.constant dense<0.000000e+00> : vector<224x224xf32>
        %reduce_sum3A_117 = vector.multi_reduction <add>, %abs3A, %reduce_sum3A [0] : vector<8x224x224xf32> to vector<224x224xf32>
        %mul3A_118 = arith.constant 0.010416667 : f32
        %mul3A_119 = vector.broadcast %mul3A_118 : f32 to vector<224x224xf32>
        %mul3A_120 = arith.mulf %mul3A_119, %reduce_sum3A_117 : vector<224x224xf32>
        %add3A = arith.addf %get3A_116, %mul3A_120 : vector<224x224xf32>
        %swap3A_121 = arith.constant 0 : index
        %swap3A_122 = arith.constant 0 : index
        %swap3A_123 = arith.constant 0 : index
        %swap3A_124 = vector.load %arg1[%swap3A_121, %swap3A_122, %swap3A_123] : memref<4x224x224xf32, #tpu.memory_space<vmem>>, vector<1x224x224xf32>
        %swap3A_125 = vector.shape_cast %swap3A_124 : vector<1x224x224xf32> to vector<224x224xf32>
        %swap3A_126 = vector.shape_cast %add3A : vector<224x224xf32> to vector<1x224x224xf32>
        tpu.vector_store %arg1[%swap3A_121, %swap3A_122, %swap3A_123], %swap3A_126 {strides = array<i32>} : memref<4x224x224xf32, #tpu.memory_space<vmem>>, vector<1x224x224xf32>,
        %get3A_127 = arith.constant 1 : index
        %get3A_128 = arith.constant 0 : index
        %get3A_129 = arith.constant 0 : index
        %get3A_130 = vector.load %arg1[%get3A_127, %get3A_128, %get3A_129] : memref<4x224x224xf32, #tpu.memory_space<vmem>>, vector<1x224x224xf32>
        %get3A_131 = vector.shape_cast %get3A_130 : vector<1x224x224xf32> to vector<224x224xf32>
        %sub3A_132 = arith.subf %concatenate3A, %concatenate3A_108 : vector<8x224x224xf32>
        %abs3A_133 = math.absf %sub3A_132 : vector<8x224x224xf32>
        %reduce_sum3A_134 = arith.constant dense<0.000000e+00> : vector<224x224xf32>
        %reduce_sum3A_135 = vector.multi_reduction <add>, %abs3A_133, %reduce_sum3A_134 [0] : vector<8x224x224xf32> to vector<224x224xf32>
        %mul3A_136 = arith.constant 0.010416667 : f32
        %mul3A_137 = vector.broadcast %mul3A_136 : f32 to vector<224x224xf32>
        %mul3A_138 = arith.mulf %mul3A_137, %reduce_sum3A_135 : vector<224x224xf32>
        %add3A_139 = arith.addf %get3A_131, %mul3A_138 : vector<224x224xf32>
        %swap3A_140 = arith.constant 1 : index
        %swap3A_141 = arith.constant 0 : index
        %swap3A_142 = arith.constant 0 : index
        %swap3A_143 = vector.load %arg1[%swap3A_140, %swap3A_141, %swap3A_142] : memref<4x224x224xf32, #tpu.memory_space<vmem>>, vector<1x224x224xf32>
        %swap3A_144 = vector.shape_cast %swap3A_143 : vector<1x224x224xf32> to vector<224x224xf32>
        %swap3A_145 = vector.shape_cast %add3A_139 : vector<224x224xf32> to vector<1x224x224xf32>
        tpu.vector_store %arg1[%swap3A_140, %swap3A_141, %swap3A_142], %swap3A_145 {strides = array<i32>} : memref<4x224x224xf32, #tpu.memory_space<vmem>>, vector<1x224x224xf32>,
        %get3A_146 = arith.constant 2 : index
        %get3A_147 = arith.constant 0 : index
        %get3A_148 = arith.constant 0 : index
        %get3A_149 = vector.load %arg1[%get3A_146, %get3A_147, %get3A_148] : memref<4x224x224xf32, #tpu.memory_space<vmem>>, vector<1x224x224xf32>
        %get3A_150 = vector.shape_cast %get3A_149 : vector<1x224x224xf32> to vector<224x224xf32>
        %sub3A_151 = arith.subf %get3A_104, %concatenate3A_108 : vector<8x224x224xf32>
        %abs3A_152 = math.absf %sub3A_151 : vector<8x224x224xf32>
        %reduce_sum3A_153 = arith.constant dense<0.000000e+00> : vector<224x224xf32>
        %reduce_sum3A_154 = vector.multi_reduction <add>, %abs3A_152, %reduce_sum3A_153 [0] : vector<8x224x224xf32> to vector<224x224xf32>
        %mul3A_155 = arith.constant 0.010416667 : f32
        %mul3A_156 = vector.broadcast %mul3A_155 : f32 to vector<224x224xf32>
        %mul3A_157 = arith.mulf %mul3A_156, %reduce_sum3A_154 : vector<224x224xf32>
        %add3A_158 = arith.addf %get3A_150, %mul3A_157 : vector<224x224xf32>
        %swap3A_159 = arith.constant 2 : index
        %swap3A_160 = arith.constant 0 : index
        %swap3A_161 = arith.constant 0 : index
        %swap3A_162 = vector.load %arg1[%swap3A_159, %swap3A_160, %swap3A_161] : memref<4x224x224xf32, #tpu.memory_space<vmem>>, vector<1x224x224xf32>
        %swap3A_163 = vector.shape_cast %swap3A_162 : vector<1x224x224xf32> to vector<224x224xf32>
        %swap3A_164 = vector.shape_cast %add3A_158 : vector<224x224xf32> to vector<1x224x224xf32>
        tpu.vector_store %arg1[%swap3A_159, %swap3A_160, %swap3A_161], %swap3A_164 {strides = array<i32>} : memref<4x224x224xf32, #tpu.memory_space<vmem>>, vector<1x224x224xf32>,
        %get3A_165 = arith.constant 3 : index
        %get3A_166 = arith.constant 0 : index
        %get3A_167 = arith.constant 0 : index
        %get3A_168 = vector.load %arg1[%get3A_165, %get3A_166, %get3A_167] : memref<4x224x224xf32, #tpu.memory_space<vmem>>, vector<1x224x224xf32>
        %get3A_169 = vector.shape_cast %get3A_168 : vector<1x224x224xf32> to vector<224x224xf32>
        %sub3A_170 = arith.subf %get3A_104, %concatenate3A_111 : vector<8x224x224xf32>
        %abs3A_171 = math.absf %sub3A_170 : vector<8x224x224xf32>
        %reduce_sum3A_172 = arith.constant dense<0.000000e+00> : vector<224x224xf32>
        %reduce_sum3A_173 = vector.multi_reduction <add>, %abs3A_171, %reduce_sum3A_172 [0] : vector<8x224x224xf32> to vector<224x224xf32>
        %mul3A_174 = arith.constant 0.010416667 : f32
        %mul3A_175 = vector.broadcast %mul3A_174 : f32 to vector<224x224xf32>
        %mul3A_176 = arith.mulf %mul3A_175, %reduce_sum3A_173 : vector<224x224xf32>
        %add3A_177 = arith.addf %get3A_169, %mul3A_176 : vector<224x224xf32>
        %swap3A_178 = arith.constant 3 : index
        %swap3A_179 = arith.constant 0 : index
        %swap3A_180 = arith.constant 0 : index
        %swap3A_181 = vector.load %arg1[%swap3A_178, %swap3A_179, %swap3A_180] : memref<4x224x224xf32, #tpu.memory_space<vmem>>, vector<1x224x224xf32>
        %swap3A_182 = vector.shape_cast %swap3A_181 : vector<1x224x224xf32> to vector<224x224xf32>
        %swap3A_183 = vector.shape_cast %add3A_177 : vector<224x224xf32> to vector<1x224x224xf32>
        tpu.vector_store %arg1[%swap3A_178, %swap3A_179, %swap3A_180], %swap3A_183 {strides = array<i32>} : memref<4x224x224xf32, #tpu.memory_space<vmem>>, vector<1x224x224xf32>,
        %add3A_184 = arith.constant 4 : i32
        %add3A_185 = arith.addi %scan3A_67, %add3A_184 : i32
        %lt3A = arith.constant 12 : i32
        %lt3A_186 = arith.cmpi slt, %add3A_185, %lt3A : i32
        %convert_element_type3A_187 = arith.extui %lt3A_186 : i1 to i32
        %cond3A_188 = arith.constant 0 : i32
        %cond3A_189 = arith.cmpi ne, %convert_element_type3A_187, %cond3A_188 : i32
        scf.if %cond3A_189 {
          %mul3A_190 = arith.constant 8 : i32
          %mul3A_191 = arith.muli %add3A_185, %mul3A_190 : i32
          %dma_start3A_192 = arith.constant 0 : i32
          %dma_start3A_193 = arith.constant 2 : i32
          %dma_start3A_194 = arith.constant 2 : i32
          %dma_start3A_195 = tpu.memref_slice %arg3[%dma_start3A_194] : memref<4x!tpu.dma_semaphore, #tpu.memory_space<semaphore_mem>> -> memref<1x!tpu.dma_semaphore, #tpu.memory_space<semaphore_mem>>
          %dma_start3A_196 = tpu.memref_squeeze %dma_start3A_195 : memref<1x!tpu.dma_semaphore, #tpu.memory_space<semaphore_mem>> -> memref<!tpu.dma_semaphore, #tpu.memory_space<semaphore_mem>>
          %dma_start3A_197 = arith.constant 0 : i32
          %dma_start3A_198 = arith.constant 0 : i32
          %dma_start3A_199 = arith.constant 0 : i32
          %dma_start3A_200 = tpu.memref_slice %arg2[%dma_start3A_193, %dma_start3A_197, %dma_start3A_198, %dma_start3A_199] : memref<4x8x224x224xf32, #tpu.memory_space<vmem>> -> memref<1x8x224x224xf32, #tpu.memory_space<vmem>>
          %dma_start3A_201 = tpu.memref_squeeze %dma_start3A_200 : memref<1x8x224x224xf32, #tpu.memory_space<vmem>> -> memref<8x224x224xf32, #tpu.memory_space<vmem>>
          %dma_start3A_202 = arith.constant 0 : i32
          %dma_start3A_203 = arith.constant 0 : i32
          %dma_start3A_204 = tpu.memref_slice %arg0[%dma_start3A_192, %mul3A_191, %dma_start3A_202, %dma_start3A_203] : memref<1x96x224x224xf32, #tpu.memory_space<any>> -> memref<1x8x224x224xf32, #tpu.memory_space<any>>
          %dma_start3A_205 = tpu.memref_squeeze %dma_start3A_204 : memref<1x8x224x224xf32, #tpu.memory_space<any>> -> memref<8x224x224xf32, #tpu.memory_space<any>>
          tpu.enqueue_dma source(%dma_start3A_205 : memref<8x224x224xf32, #tpu.memory_space<any>>) target(%dma_start3A_201 : memref<8x224x224xf32, #tpu.memory_space<vmem>>) target_semaphore(%dma_start3A_196 : memref<!tpu.dma_semaphore, #tpu.memory_space<semaphore_mem>>)
        } else {
        }
      } else {
      }
      %eq3A_81 = arith.constant 3 : i32
      %eq3A_82 = arith.cmpi eq, %rem3A_68, %eq3A_81 : i32
      %convert_element_type3A_83 = arith.extui %eq3A_82 : i1 to i32
      %cond3A_84 = arith.constant 0 : i32
      %cond3A_85 = arith.cmpi ne, %convert_element_type3A_83, %cond3A_84 : i32
      scf.if %cond3A_85 {
        %mul3A = arith.constant 8 : i32
        %mul3A_86 = arith.muli %scan3A_67, %mul3A : i32
        %dma_wait3A = arith.constant 0 : i32
        %dma_wait3A_87 = arith.constant 3 : i32
        %dma_wait3A_88 = arith.constant 3 : i32
        %dma_wait3A_89 = tpu.memref_slice %arg3[%dma_wait3A_88] : memref<4x!tpu.dma_semaphore, #tpu.memory_space<semaphore_mem>> -> memref<1x!tpu.dma_semaphore, #tpu.memory_space<semaphore_mem>>
        %dma_wait3A_90 = tpu.memref_squeeze %dma_wait3A_89 : memref<1x!tpu.dma_semaphore, #tpu.memory_space<semaphore_mem>> -> memref<!tpu.dma_semaphore, #tpu.memory_space<semaphore_mem>>
        %dma_wait3A_91 = arith.constant 0 : i32
        %dma_wait3A_92 = arith.constant 0 : i32
        %dma_wait3A_93 = arith.constant 0 : i32
        %dma_wait3A_94 = tpu.memref_slice %arg2[%dma_wait3A_87, %dma_wait3A_91, %dma_wait3A_92, %dma_wait3A_93] : memref<4x8x224x224xf32, #tpu.memory_space<vmem>> -> memref<1x8x224x224xf32, #tpu.memory_space<vmem>>
        %dma_wait3A_95 = tpu.memref_squeeze %dma_wait3A_94 : memref<1x8x224x224xf32, #tpu.memory_space<vmem>> -> memref<8x224x224xf32, #tpu.memory_space<vmem>>
        %dma_wait3A_96 = arith.constant 0 : i32
        %dma_wait3A_97 = arith.constant 0 : i32
        %dma_wait3A_98 = tpu.memref_slice %arg0[%dma_wait3A, %mul3A_86, %dma_wait3A_96, %dma_wait3A_97] : memref<1x96x224x224xf32, #tpu.memory_space<any>> -> memref<1x8x224x224xf32, #tpu.memory_space<any>>
        %dma_wait3A_99 = tpu.memref_squeeze %dma_wait3A_98 : memref<1x8x224x224xf32, #tpu.memory_space<any>> -> memref<8x224x224xf32, #tpu.memory_space<any>>
        tpu.wait_dma2 semaphore(%dma_wait3A_90 : memref<!tpu.dma_semaphore, #tpu.memory_space<semaphore_mem>>) src(%dma_wait3A_99 : memref<8x224x224xf32, #tpu.memory_space<any>>) dst(%dma_wait3A_95 : memref<8x224x224xf32, #tpu.memory_space<vmem>>)
        %get3A = arith.constant 3 : index
        %get3A_100 = arith.constant 0 : index
        %get3A_101 = arith.constant 0 : index
        %get3A_102 = arith.constant 0 : index
        %get3A_103 = vector.load %arg2[%get3A, %get3A_100, %get3A_101, %get3A_102] : memref<4x8x224x224xf32, #tpu.memory_space<vmem>>, vector<1x8x224x224xf32>
        %get3A_104 = vector.shape_cast %get3A_103 : vector<1x8x224x224xf32> to vector<8x224x224xf32>
        %slice3A = vector.extract_strided_slice %get3A_104 {offsets = [0, 0, 1], sizes = [8, 224, 223], strides = [1, 1, 1]} : vector<8x224x224xf32> to vector<8x224x223xf32>
        %slice3A_105 = vector.extract_strided_slice %get3A_104 {offsets = [0, 0, 0], sizes = [8, 224, 1], strides = [1, 1, 1]} : vector<8x224x224xf32> to vector<8x224x1xf32>
        %concatenate3A = tpu.concatenate %slice3A, %slice3A_105 in 2 : vector<8x224x223xf32>, vector<8x224x1xf32> -> vector<8x224x224xf32>
        %slice3A_106 = vector.extract_strided_slice %get3A_104 {offsets = [0, 1, 0], sizes = [8, 223, 224], strides = [1, 1, 1]} : vector<8x224x224xf32> to vector<8x223x224xf32>
        %slice3A_107 = vector.extract_strided_slice %get3A_104 {offsets = [0, 0, 0], sizes = [8, 1, 224], strides = [1, 1, 1]} : vector<8x224x224xf32> to vector<8x1x224xf32>
        %concatenate3A_108 = tpu.concatenate %slice3A_106, %slice3A_107 in 1 : vector<8x223x224xf32>, vector<8x1x224xf32> -> vector<8x224x224xf32>
        %slice3A_109 = vector.extract_strided_slice %concatenate3A_108 {offsets = [0, 0, 1], sizes = [8, 224, 223], strides = [1, 1, 1]} : vector<8x224x224xf32> to vector<8x224x223xf32>
        %slice3A_110 = vector.extract_strided_slice %concatenate3A_108 {offsets = [0, 0, 0], sizes = [8, 224, 1], strides = [1, 1, 1]} : vector<8x224x224xf32> to vector<8x224x1xf32>
        %concatenate3A_111 = tpu.concatenate %slice3A_109, %slice3A_110 in 2 : vector<8x224x223xf32>, vector<8x224x1xf32> -> vector<8x224x224xf32>
        %get3A_112 = arith.constant 0 : index
        %get3A_113 = arith.constant 0 : index
        %get3A_114 = arith.constant 0 : index
        %get3A_115 = vector.load %arg1[%get3A_112, %get3A_113, %get3A_114] : memref<4x224x224xf32, #tpu.memory_space<vmem>>, vector<1x224x224xf32>
        %get3A_116 = vector.shape_cast %get3A_115 : vector<1x224x224xf32> to vector<224x224xf32>
        %sub3A = arith.subf %get3A_104, %concatenate3A : vector<8x224x224xf32>
        %abs3A = math.absf %sub3A : vector<8x224x224xf32>
        %reduce_sum3A = arith.constant dense<0.000000e+00> : vector<224x224xf32>
        %reduce_sum3A_117 = vector.multi_reduction <add>, %abs3A, %reduce_sum3A [0] : vector<8x224x224xf32> to vector<224x224xf32>
        %mul3A_118 = arith.constant 0.010416667 : f32
        %mul3A_119 = vector.broadcast %mul3A_118 : f32 to vector<224x224xf32>
        %mul3A_120 = arith.mulf %mul3A_119, %reduce_sum3A_117 : vector<224x224xf32>
        %add3A = arith.addf %get3A_116, %mul3A_120 : vector<224x224xf32>
        %swap3A_121 = arith.constant 0 : index
        %swap3A_122 = arith.constant 0 : index
        %swap3A_123 = arith.constant 0 : index
        %swap3A_124 = vector.load %arg1[%swap3A_121, %swap3A_122, %swap3A_123] : memref<4x224x224xf32, #tpu.memory_space<vmem>>, vector<1x224x224xf32>
        %swap3A_125 = vector.shape_cast %swap3A_124 : vector<1x224x224xf32> to vector<224x224xf32>
        %swap3A_126 = vector.shape_cast %add3A : vector<224x224xf32> to vector<1x224x224xf32>
        tpu.vector_store %arg1[%swap3A_121, %swap3A_122, %swap3A_123], %swap3A_126 {strides = array<i32>} : memref<4x224x224xf32, #tpu.memory_space<vmem>>, vector<1x224x224xf32>,
        %get3A_127 = arith.constant 1 : index
        %get3A_128 = arith.constant 0 : index
        %get3A_129 = arith.constant 0 : index
        %get3A_130 = vector.load %arg1[%get3A_127, %get3A_128, %get3A_129] : memref<4x224x224xf32, #tpu.memory_space<vmem>>, vector<1x224x224xf32>
        %get3A_131 = vector.shape_cast %get3A_130 : vector<1x224x224xf32> to vector<224x224xf32>
        %sub3A_132 = arith.subf %concatenate3A, %concatenate3A_108 : vector<8x224x224xf32>
        %abs3A_133 = math.absf %sub3A_132 : vector<8x224x224xf32>
        %reduce_sum3A_134 = arith.constant dense<0.000000e+00> : vector<224x224xf32>
        %reduce_sum3A_135 = vector.multi_reduction <add>, %abs3A_133, %reduce_sum3A_134 [0] : vector<8x224x224xf32> to vector<224x224xf32>
        %mul3A_136 = arith.constant 0.010416667 : f32
        %mul3A_137 = vector.broadcast %mul3A_136 : f32 to vector<224x224xf32>
        %mul3A_138 = arith.mulf %mul3A_137, %reduce_sum3A_135 : vector<224x224xf32>
        %add3A_139 = arith.addf %get3A_131, %mul3A_138 : vector<224x224xf32>
        %swap3A_140 = arith.constant 1 : index
        %swap3A_141 = arith.constant 0 : index
        %swap3A_142 = arith.constant 0 : index
        %swap3A_143 = vector.load %arg1[%swap3A_140, %swap3A_141, %swap3A_142] : memref<4x224x224xf32, #tpu.memory_space<vmem>>, vector<1x224x224xf32>
        %swap3A_144 = vector.shape_cast %swap3A_143 : vector<1x224x224xf32> to vector<224x224xf32>
        %swap3A_145 = vector.shape_cast %add3A_139 : vector<224x224xf32> to vector<1x224x224xf32>
        tpu.vector_store %arg1[%swap3A_140, %swap3A_141, %swap3A_142], %swap3A_145 {strides = array<i32>} : memref<4x224x224xf32, #tpu.memory_space<vmem>>, vector<1x224x224xf32>,
        %get3A_146 = arith.constant 2 : index
        %get3A_147 = arith.constant 0 : index
        %get3A_148 = arith.constant 0 : index
        %get3A_149 = vector.load %arg1[%get3A_146, %get3A_147, %get3A_148] : memref<4x224x224xf32, #tpu.memory_space<vmem>>, vector<1x224x224xf32>
        %get3A_150 = vector.shape_cast %get3A_149 : vector<1x224x224xf32> to vector<224x224xf32>
        %sub3A_151 = arith.subf %get3A_104, %concatenate3A_108 : vector<8x224x224xf32>
        %abs3A_152 = math.absf %sub3A_151 : vector<8x224x224xf32>
        %reduce_sum3A_153 = arith.constant dense<0.000000e+00> : vector<224x224xf32>
        %reduce_sum3A_154 = vector.multi_reduction <add>, %abs3A_152, %reduce_sum3A_153 [0] : vector<8x224x224xf32> to vector<224x224xf32>
        %mul3A_155 = arith.constant 0.010416667 : f32
        %mul3A_156 = vector.broadcast %mul3A_155 : f32 to vector<224x224xf32>
        %mul3A_157 = arith.mulf %mul3A_156, %reduce_sum3A_154 : vector<224x224xf32>
        %add3A_158 = arith.addf %get3A_150, %mul3A_157 : vector<224x224xf32>
        %swap3A_159 = arith.constant 2 : index
        %swap3A_160 = arith.constant 0 : index
        %swap3A_161 = arith.constant 0 : index
        %swap3A_162 = vector.load %arg1[%swap3A_159, %swap3A_160, %swap3A_161] : memref<4x224x224xf32, #tpu.memory_space<vmem>>, vector<1x224x224xf32>
        %swap3A_163 = vector.shape_cast %swap3A_162 : vector<1x224x224xf32> to vector<224x224xf32>
        %swap3A_164 = vector.shape_cast %add3A_158 : vector<224x224xf32> to vector<1x224x224xf32>
        tpu.vector_store %arg1[%swap3A_159, %swap3A_160, %swap3A_161], %swap3A_164 {strides = array<i32>} : memref<4x224x224xf32, #tpu.memory_space<vmem>>, vector<1x224x224xf32>,
        %get3A_165 = arith.constant 3 : index
        %get3A_166 = arith.constant 0 : index
        %get3A_167 = arith.constant 0 : index
        %get3A_168 = vector.load %arg1[%get3A_165, %get3A_166, %get3A_167] : memref<4x224x224xf32, #tpu.memory_space<vmem>>, vector<1x224x224xf32>
        %get3A_169 = vector.shape_cast %get3A_168 : vector<1x224x224xf32> to vector<224x224xf32>
        %sub3A_170 = arith.subf %get3A_104, %concatenate3A_111 : vector<8x224x224xf32>
        %abs3A_171 = math.absf %sub3A_170 : vector<8x224x224xf32>
        %reduce_sum3A_172 = arith.constant dense<0.000000e+00> : vector<224x224xf32>
        %reduce_sum3A_173 = vector.multi_reduction <add>, %abs3A_171, %reduce_sum3A_172 [0] : vector<8x224x224xf32> to vector<224x224xf32>
        %mul3A_174 = arith.constant 0.010416667 : f32
        %mul3A_175 = vector.broadcast %mul3A_174 : f32 to vector<224x224xf32>
        %mul3A_176 = arith.mulf %mul3A_175, %reduce_sum3A_173 : vector<224x224xf32>
        %add3A_177 = arith.addf %get3A_169, %mul3A_176 : vector<224x224xf32>
        %swap3A_178 = arith.constant 3 : index
        %swap3A_179 = arith.constant 0 : index
        %swap3A_180 = arith.constant 0 : index
        %swap3A_181 = vector.load %arg1[%swap3A_178, %swap3A_179, %swap3A_180] : memref<4x224x224xf32, #tpu.memory_space<vmem>>, vector<1x224x224xf32>
        %swap3A_182 = vector.shape_cast %swap3A_181 : vector<1x224x224xf32> to vector<224x224xf32>
        %swap3A_183 = vector.shape_cast %add3A_177 : vector<224x224xf32> to vector<1x224x224xf32>
        tpu.vector_store %arg1[%swap3A_178, %swap3A_179, %swap3A_180], %swap3A_183 {strides = array<i32>} : memref<4x224x224xf32, #tpu.memory_space<vmem>>, vector<1x224x224xf32>,
        %add3A_184 = arith.constant 4 : i32
        %add3A_185 = arith.addi %scan3A_67, %add3A_184 : i32
        %lt3A = arith.constant 12 : i32
        %lt3A_186 = arith.cmpi slt, %add3A_185, %lt3A : i32
        %convert_element_type3A_187 = arith.extui %lt3A_186 : i1 to i32
        %cond3A_188 = arith.constant 0 : i32
        %cond3A_189 = arith.cmpi ne, %convert_element_type3A_187, %cond3A_188 : i32
        scf.if %cond3A_189 {
          %mul3A_190 = arith.constant 8 : i32
          %mul3A_191 = arith.muli %add3A_185, %mul3A_190 : i32
          %dma_start3A_192 = arith.constant 0 : i32
          %dma_start3A_193 = arith.constant 3 : i32
          %dma_start3A_194 = arith.constant 3 : i32
          %dma_start3A_195 = tpu.memref_slice %arg3[%dma_start3A_194] : memref<4x!tpu.dma_semaphore, #tpu.memory_space<semaphore_mem>> -> memref<1x!tpu.dma_semaphore, #tpu.memory_space<semaphore_mem>>
          %dma_start3A_196 = tpu.memref_squeeze %dma_start3A_195 : memref<1x!tpu.dma_semaphore, #tpu.memory_space<semaphore_mem>> -> memref<!tpu.dma_semaphore, #tpu.memory_space<semaphore_mem>>
          %dma_start3A_197 = arith.constant 0 : i32
          %dma_start3A_198 = arith.constant 0 : i32
          %dma_start3A_199 = arith.constant 0 : i32
          %dma_start3A_200 = tpu.memref_slice %arg2[%dma_start3A_193, %dma_start3A_197, %dma_start3A_198, %dma_start3A_199] : memref<4x8x224x224xf32, #tpu.memory_space<vmem>> -> memref<1x8x224x224xf32, #tpu.memory_space<vmem>>
          %dma_start3A_201 = tpu.memref_squeeze %dma_start3A_200 : memref<1x8x224x224xf32, #tpu.memory_space<vmem>> -> memref<8x224x224xf32, #tpu.memory_space<vmem>>
          %dma_start3A_202 = arith.constant 0 : i32
          %dma_start3A_203 = arith.constant 0 : i32
          %dma_start3A_204 = tpu.memref_slice %arg0[%dma_start3A_192, %mul3A_191, %dma_start3A_202, %dma_start3A_203] : memref<1x96x224x224xf32, #tpu.memory_space<any>> -> memref<1x8x224x224xf32, #tpu.memory_space<any>>
          %dma_start3A_205 = tpu.memref_squeeze %dma_start3A_204 : memref<1x8x224x224xf32, #tpu.memory_space<any>> -> memref<8x224x224xf32, #tpu.memory_space<any>>
          tpu.enqueue_dma source(%dma_start3A_205 : memref<8x224x224xf32, #tpu.memory_space<any>>) target(%dma_start3A_201 : memref<8x224x224xf32, #tpu.memory_space<vmem>>) target_semaphore(%dma_start3A_196 : memref<!tpu.dma_semaphore, #tpu.memory_space<semaphore_mem>>)
        } else {
        }
      } else {
      }
    }
    %scan3A_66 = arith.constant 12 : i32
    return
  }
}

</mosaic_0001>

<sc_bundles>
// kernel: kernel.4.cloned.1.call-start
scs
__scs_entry_jumppad:
0x0: {  	(pc) =	sbr.rel $0x88, $3  }
0x1: {  	(tag) =	ssettag $0x0;
	lr =	simm.s32 $0x1  }
0x2: {  	[smem:$0x3FA0] =	sst lr;
	_ =	strace $0xD0000000  }
0x3: {  	_ = 	snop  }
0x4: {  	_ = 	snop  }
0x5: {  	_ = 	snop  }
0x6: {  	_ = 	snop  }
0x7: {  	_ = 	snop  }
__scs_overlays_trampoline_lowered:
0x8: {  	[smem:$0x3FAF] =	sst s0  }
0x9: {  	[smem:$0x3FB0] =	sst s1  }
0xa: {  	[smem:$0x3FB1] =	sst s2  }
0xb: {  	[smem:$0x3FB2] =	sst s3  }
0xc: {  	[smem:$0x3FB3] =	sst s4  }
0xd: {  	[smem:$0x3FB4] =	sst s5  }
0xe: {  	[smem:$0x3FB5] =	sst s6  }
0xf: {  	[smem:$0x3FB6] =	sst s7  }
0x10: {  	[smem:$0x3FB7] =	sst s8  }
0x11: {  	[smem:$0x3FB8] =	sst s9;
	s0 =	simm.s32 @!p0 $0x0  }
0x12: {  	s1 =	sld [smem:$0x3F9E];
	s0 =	simm.s32 @p0 $0x1  }
0x13: {  	[smem:$0x3FB9] =	sst s0;
	s0 =	simm.s32 @!p1 $0x0  }
0x14: {  	s2 =	sld [smem:$0x3F9D];
	s0 =	simm.s32 @p1 $0x1  }
0x15: {  	[smem:$0x3FBA] =	sst s0;
	s0 =	simm.s32 @!p2 $0x0  }
0x16: {  	s3 =	sld [smem:$0x3FDB];
	s0 =	simm.s32 @p2 $0x1  }
0x17: {  	s4 =	simm.s32 $0x1BF5;
	[smem:$0x3FBC] =	sst s0  }
0x18: {  	s0 =	sld [smem:$0x3F9F];
	_ =	swait.ge [sflag:s4], $0x0  }
0x19: {  	s7 =	sld [smem:$0x3FA0]  }
0x1a: {  	s8 =	sadd.s32 $0xFFFFE003, lr  }
0x1b: {  	s9 =	sadd.s32 $0xFFFFFEF7, lr;
	s5 =	simm.s32 $0xFFFFFFFF;
	p2 =	slt.u32 s8, $0xFFFFF086  }
0x1c: {  	p1 =	slt.u32 s9, $0xF7A;
	s5 =	simm.s32 @!p2 $0x0  }
0x1d: {  	s5 =	simm.s32 @p1 $0x1;
	p0 =	seq.s32 s7, s2  }
0x1e: {  	s7 =	smul.u32 @!p0 $0xF7A, s2;
	p2 =	seq.s32 @!p0 s5, $0x0  }
0x1f: {  	s9 =	smul.u32 $0xF7A, s1;
	s8 =	simm.s32 @!p0 $0x1BF5;
	p2 =	por !p2, p0  }
0x20: {  	[sflag:s8] =	ssyncset.s32 @!p0 $0xFFFFF086;
	s6 =	sadd.s32 @!p0 s3, s7;
	s7 =	simm.s32 @!p0 $0x108  }
0x21: {  	s3 =	sadd.s32 s3, s9;
	s6 =	sadd.s32 @!p0 $0x88, s6;
	s7 =	simm.s32 @p2 $0x1082  }
0x22: {  	[simem:s7], [sflag:s8] =	dma.local @!p0 [hbm:s6], $0xF7A  }
0x23: {  	s9 =	sor.u32 $0xD0000000, s2;
	s6 =	simm.s32 $0x108;
	_ =	swait.ge @!p0 [sflag:s8], $0x0  }
0x24: {  	s3 =	sadd.s32 $0x88, s3;
	s6 =	simm.s32 @!p1 $0x1082;
	[sflag:s4] =	ssyncset.s32 $0xFFFFF086  }
0x25: {  	[simem:s6], [sflag:s4] =	dma.local [hbm:s3], $0xF7A  }
0x26: {  	[smem:$0x3FA0] =	sst s1;
	(tag) =	ssettag s2;
	_ =	strace s9  }
0x27: {  	s1 =	sld [smem:$0x3FB0]  }
0x28: {  	s2 =	sld [smem:$0x3FB1]  }
0x29: {  	s4 =	sld [smem:$0x3FB3]  }
0x2a: {  	p0 =	seq.s32 s5, $0x0;
	s5 =	sld [smem:$0x3FB4]  }
0x2b: {  	s6 =	sld [smem:$0x3FB5]  }
0x2c: {  	s7 =	sld [smem:$0x3FB6]  }
0x2d: {  	s3 =	simm.s32 $0x108;
	s8 =	sld [smem:$0x3FB7]  }
0x2e: {  	s3 =	simm.s32 @!p0 $0x1082;
	s9 =	sld [smem:$0x3FB8]  }
0x2f: {  	lr =	sadd.s32 s0, s3;
	s0 =	sld [smem:$0x3FAF]  }
0x30: {  	s3 =	sld [smem:$0x3FB2]  }
0x31: {  	[smem:$0x3FBB] =	sst s10  }
0x32: {  	s10 =	sld [smem:$0x3FB9];
	_ =	sdelay $0x3  }
0x33: {  	p0 =	seq.s32 s10, $0x1;
	s10 =	sld [smem:$0x3FBB];
	_ =	sdelay $0x3  }
0x34: {  	[smem:$0x3FBB] =	sst s10  }
0x35: {  	s10 =	sld [smem:$0x3FBA];
	_ =	sdelay $0x3  }
0x36: {  	p1 =	seq.s32 s10, $0x1;
	s10 =	sld [smem:$0x3FBB];
	_ =	sdelay $0x3  }
0x37: {  	[smem:$0x3FBB] =	sst s10  }
0x38: {  	s10 =	sld [smem:$0x3FBC]  }
0x39: {  	_ = 	snop;
	(pc) =	sbr.ind lr, $3  }
0x3a: {  	_ = 	snop  }
0x3b: {  	_ = 	snop  }
0x3c: {  	p2 =	seq.s32 s10, $0x1;
	s10 =	sld [smem:$0x3FBB]  }
0x3d: {  	_ =	shalt  }
0x3e: {  	_ =	shalt  }
0x3f: {  	_ =	shalt  }
0x40: {  	_ =	shalt  }
0x41: {  	_ =	shalt  }
0x42: {  	_ =	shalt  }
0x43: {  	_ =	shalt  }
0x44: {  	_ =	shalt  }
0x45: {  	_ =	shalt  }
0x46: {  	_ =	shalt  }
0x47: {  	_ =	shalt  }
0x48: {  	_ =	shalt  }
0x49: {  	_ =	shalt  }
0x4a: {  	_ =	shalt  }
0x4b: {  	_ =	shalt  }
0x4c: {  	_ =	shalt  }
0x4d: {  	_ =	shalt  }
0x4e: {  	_ =	shalt  }
0x4f: {  	_ =	shalt  }
0x50: {  	_ =	shalt  }
0x51: {  	_ =	shalt  }
0x52: {  	_ =	shalt  }
0x53: {  	_ =	shalt  }
0x54: {  	_ =	shalt  }
0x55: {  	_ =	shalt  }
0x56: {  	_ =	shalt  }
0x57: {  	_ =	shalt  }
0x58: {  	_ =	shalt  }
0x59: {  	_ =	shalt  }
0x5a: {  	_ =	shalt  }
0x5b: {  	_ =	shalt  }
0x5c: {  	_ =	shalt  }
0x5d: {  	_ =	shalt  }
0x5e: {  	_ =	shalt  }
0x5f: {  	_ =	shalt  }
0x60: {  	_ =	shalt  }
0x61: {  	_ =	shalt  }
0x62: {  	_ =	shalt  }
0x63: {  	_ =	shalt  }
0x64: {  	_ =	shalt  }
0x65: {  	_ =	shalt  }
0x66: {  	_ =	shalt  }
0x67: {  	_ =	shalt  }
0x68: {  	_ =	shalt  }
0x69: {  	_ =	shalt  }
0x6a: {  	_ =	shalt  }
0x6b: {  	_ =	shalt  }
0x6c: {  	_ =	shalt  }
0x6d: {  	_ =	shalt  }
0x6e: {  	_ =	shalt  }
0x6f: {  	_ =	shalt  }
0x70: {  	_ =	shalt  }
0x71: {  	_ =	shalt  }
0x72: {  	_ =	shalt  }
0x73: {  	_ =	shalt  }
0x74: {  	_ =	shalt  }
0x75: {  	_ =	shalt  }
0x76: {  	_ =	shalt  }
0x77: {  	_ =	shalt  }
0x78: {  	_ =	shalt  }
0x79: {  	_ =	shalt  }
0x7a: {  	_ =	shalt  }
0x7b: {  	_ =	shalt  }
0x7c: {  	_ =	shalt  }
0x7d: {  	_ =	shalt  }
0x7e: {  	_ =	shalt  }
0x7f: {  	_ =	shalt  }
0x80: {  	_ =	shalt  }
0x81: {  	_ =	shalt  }
0x82: {  	_ =	shalt  }
0x83: {  	_ =	shalt  }
0x84: {  	_ =	shalt  }
0x85: {  	_ =	shalt  }
0x86: {  	_ =	shalt  }
0x87: {  	_ =	shalt  }
.Lfunc_end0:
.L_simem_size_0:
called_computation_lowered:
.L_overlay_start_0:
0x88: {  	s2 =	sld [smem:$0x3FD9]  }
0x89: {  	s3 =	sld [smem:$0x3FFE];
	_ =	sdelay $0x1  }
0x8a: {  	s1 =	srdreg.scid  }
0x8b: {  	s0 =	sand.u32 $0x1, s1  }
0x8c: {  	s14 =	sshll.u32 s0, $0xA;
	s2 =	sadd.s32 s3, s2  }
0x8d: {  	s2 =	sadd.s32 s2, s14  }
0x8e: {  	[smem:$0x3FC7] =	sst s2  }
0x8f: {  	_ = 	snop  }
0x90: {  	s2 =	sld [smem:$0x3FD0];
	_ =	sdelay $0x2  }
0x91: {  	s15 =	simm.s32 $0xA;
	s4 =	simm.s32 $0x10  }
0x92: {  	[smem:s4], [sflag:s15] =	dma.local [hbm:s2], $0x1  }
0x93: {  	_ =	swait.eq [sflag:s15], $0x1  }
0x94: {  	[sflag:s15] =	ssyncset.done $0x0  }
0x95: {  	s16 =	sld [smem:$0x11];
	[sflag:s15] =	ssyncadd.s32 $0xFFFFFFFF  }
0x96: {  	s17 =	sld [smem:$0x12];
	(tm) =	ssettm $0x1  }
0x97: {  	s18 =	sld [smem:$0x3FFB];
	_ =	sdelay $0x3  }
0x98: {  	_ =	strace s18  }
0x99: {  	s4 =	sld [smem:$0x3FFC];
	_ =	sdelay $0x3  }
0x9a: {  	_ =	strace s4  }
0x9b: {  	s4 =	sld [smem:$0x3FFD];
	_ =	sdelay $0x3  }
0x9c: {  	_ =	strace s4  }
0x9d: {  	_ =	strace $0x8FFFFFFF  }
0x9e: {  	s19 =	sld [smem:$0x3FDB];
	_ =	sdelay $0x1  }
0x9f: {  	s5 =	simm.s32 $_scs_section_size  }
0xa0: {  	s6 =	simm.s32 $_size__tile_overlayer_lowered;
	s7 =	simm.s32 $_tile_overlayer_lowered  }
0xa1: {  	s22 =	simm.s32 $0x1BFF;
	s21 =	sshll.u32 s7, $0x1;
	s4 =	sadd.s32 s5, s19  }
0xa2: {  	s8 =	simm.s32 $0x0;
	s20 =	sshll.u32 s6, $0x1;
	s6 =	sadd.s32 s21, s4  }
0xa3: {  	[timem:s8], [sflag:s22] =	dma.local [hbm:s6], s20  }
0xa4: {  	_ =	swait.ge [sflag:s22], s20  }
0xa5: {  	s5 =	ssub.s32 $0x0, s20;
	[sflag:s22] =	ssyncset.done $0x0  }
0xa6: {  	[sflag:s22] =	ssyncadd.s32 s5;
	_ =	sdelay $0x1  }
0xa7: {  	s23 =	simm.s32 $0x1B8B  }
0xa8: {  	_ =	swait.ge [sflag:s23], $0x1  }
0xa9: {  	[sflag:s23] =	ssyncset.done $0x0  }
0xaa: {  	s25 =	simm.s32 $0x1B8E;
	s24 =	sld [smem:$0x3FFE];
	[sflag:s23] =	ssyncadd.s32 $0xFFFFFFFF  }
0xab: {  	s26 =	simm.s32 $execute0_lowered;
	[smem:$0x3FD2] =	sst s25  }
0xac: {  	s6 =	sshll.u32 s26, $0x1;
	_ =	strace $0x80000046;
	[dreg:$0x1] =	wrdreg $0xFFFFFFFF  }
0xad: {  	s28 =	simm.s32 $_size_execute0_lowered;
	s4 =	sadd.s32 s4, s6;
	[dreg:$0x0] =	wrdreg $0x0  }
0xae: {  	s6 =	sshll.u32 s28, $0x1;
	[dreg:$0x2] =	wrdreg s4  }
0xaf: {  	[dreg:$0x3] =	wrdreg s6  }
0xb0: {  	[dreg:$0x4] =	wrdreg $0xC0  }
0xb1: {  	_ =	task [dreg:s8], $0x5FFFF  }
0xb2: {  	[dreg:$0x1] =	wrdreg $0xFFFFFFFF  }
0xb3: {  	[dreg:$0x0] =	wrdreg $0x60  }
0xb4: {  	[dreg:$0x2] =	wrdreg s24  }
0xb5: {  	[dreg:$0x3] =	wrdreg s17  }
0xb6: {  	[dreg:$0x4] =	wrdreg s16  }
0xb7: {  	[dreg:$0x5] =	wrdreg $0x9  }
0xb8: {  	_ =	task.clear_ibuf [dreg:s8], $0x6FFFF;
	_ =	strace $0x90000046  }
0xb9: {  	s29 =	simm.s32 $0x9;
	_ =	strace $0x80000048  }
0xba: {  	_ =	swait.ge [sflag:s29], $0x1  }
0xbb: {  	[sflag:s29] =	ssyncadd.s32 $0xFFFFFFFF  }
0xbc: {  	_ =	strace $0x90000048  }
0xbd: {  	_ =	sfence  }
0xbe: {  	s30 =	sld [smem:$0x0];
	_ =	sdelay $0x2  }
0xbf: {  	s31 =	sshll.u32 s1, $0xD;
	s1 =	sshrl.u32 s1, $0x2  }
0xc0: {  	s3 =	sand.u32 $0x4000, s31;
	s1 =	sadd.s32 s1, s30  }
0xc1: {  	s0 =	sor.u32 s3, s0;
	s1 =	sshll.u32 s1, $0x11  }
0xc2: {  	s0 =	sor.u32 s1, s0  }
0xc3: {  	s0 =	sadd.s32 $0x8F2B, s0  }
0xc4: {  	[sflag:s0] =	ssyncadd.remote.s32 $0x1  }
0xc5: {  	_ =	sfence.sel $0xFFFF  }
0xc6: {  	[dreg:$0x0] =	wrdreg $0xFFFFFFFF;
	(pc) =	sbr.abs _section_cstart, $3  }
0xc7: {  	[dreg:$0x1] =	wrdreg $0xFFFFFFFF  }
0xc8: {  	_ =	task.clear_ibuf [dreg:s8], $0x2FFFF;
	_ =	strace $0x9FFFFFFF  }
0xc9: {  	(tm) =	ssettm $0x7FFFFFFF  }
tec
execute0_lowered:
.L_overlay_start_1:
0x0: {  	(tag) =	ssettag $0x1  }
0x1: {  	s1 =	srdreg.scid;
	s0 =	stileid.u32  }
0x2: {  	s3 =	sand.u32 $0x1, s1;
	s26 =	sshll.u32 s0, $0x1  }
0x3: {  	s1 =	sor.u32 s3, s26  }
0x4: {  	s8 =	smul.u32 $0x616, s1;
	_ =	sdelay $0x1  }
0x5: {  	s2 =	smax.u32 s8, $0xE2  }
0x6: {  	s2 =	sadd.s32 $0xFFFFFF1E, s2  }
0x7: {  	s28 =	rddreg [dreg:$0x0];
	s4 =	sand.u32 $0x6, s2  }
0x8: {  	s5 =	rddreg [dreg:$0x1];
	p0 =	seq.s32 s1, $0x0;
	p1 =	sne.s32 s4, $0x0  }
0x9: {  	s9 =	rddreg [dreg:$0x2];
	s13 =	simm.s32 $0x50B0;
	p0 =	por !p0, !p1  }
0xa: {  	s14 =	simm.s32 $0x60B0;
	s1 =	simm.s32 $0xFFFFFFFF;
	p0 =	por !p0, !p0  }
0xb: {  	s15 =	simm.s32 $0x70B0;
	s3 =	ssub.s32 $0x2, s3;
	s1 =	simm.s32 @!p0 $0x0  }
0xc: {  	s16 =	simm.s32 $0x0;
	s29 =	sshrl.u32 s3, $0x1;
	s1 =	sshll.u32 s1, $0x3  }
0xd: {  	s7 =	sadd.s32 $0xC00, s28;
	s11 =	ssub.s32 s3, s29;
	s6 =	sadd.s32 s2, s1  }
0xe: {  	s3 =	sadd.s32 s5, s8;
	s8 =	sadd.s32 s9, s8;
	s6 =	sand.u32 $0xFFFFFFF8, s6  }
0xf: {  	s9 =	smax.u32 s11, $0x1;
	s2 =	simm.s32 $0x0;
	p0 =	slt.s32 s6, $0xB400  }
0x10: {  	s11 =	simm.s32 $0x30B0;
	[smem:$0x7FF] =	sst s2;
	s6 =	simm.s32 @!p0 $0xB400  }
0x11: {  	s1 =	rddreg [dreg:$0x3];
	_ =	strace $0x80000047;
	s10 =	sshrl.u32 s6, $0x3  }
0x12: {  	s30 =	sadd.s32 $0xC400, s6;
	s31 =	sadd.s32 $0x18800, s6;
	s6 =	sadd.s32 $0x24C00, s6  }
0x13: {  	s4 =	sadd.s32 s7, s10;
	s5 =	sshrl.u32 s30, $0x3;
	s10 =	sshrl.u32 s31, $0x3  }
0x14: {  	s12 =	sshrl.u32 s6, $0x3;
	s5 =	sadd.s32 s7, s5;
	s6 =	sadd.s32 s7, s10  }
0x15: {  	s7 =	sadd.s32 s7, s12;
	s10 =	simm.s32 $0x1;
	s12 =	simm.s32 $0x40B0  }
.LBB2_1:
0x16: {  	[tilespmem:s2], [sflag:$0x1] =	stream.linear.gather [hbm4b:s3+s2], $0x30B0, $0x38;
	[tilespmem:$0xA160] =	vst v63  }
0x17: {  	_ =	swait.ge [sflag:s10], $0x30B0  }
0x18: {  	[sflag:s10] =	ssyncset.done $0x0  }
0x19: {  	[sflag:s10] =	ssyncadd.s32 $0xFFFFCF50  }
0x1a: {  	[tilespmem:s11], [sflag:$0x1] =	stream.linear.gather [hbm4b:s4+s2], $0x1000, $0x38;
	[tilespmem:$0xA160] =	vst v63  }
0x1b: {  	_ =	swait.ge [sflag:s10], $0x1000  }
0x1c: {  	[sflag:s10] =	ssyncset.done $0x0  }
0x1d: {  	[sflag:s10] =	ssyncadd.s32 $0xFFFFF000  }
0x1e: {  	[tilespmem:s12], [sflag:$0x1] =	stream.linear.gather [hbm4b:s5+s2], $0x1000, $0x38;
	[tilespmem:$0xA160] =	vst v63  }
0x1f: {  	_ =	swait.ge [sflag:s10], $0x1000  }
0x20: {  	[sflag:s10] =	ssyncset.done $0x0  }
0x21: {  	[sflag:s10] =	ssyncadd.s32 $0xFFFFF000  }
0x22: {  	[tilespmem:s13], [sflag:$0x1] =	stream.linear.gather [hbm4b:s6+s2], $0x1000, $0x38;
	[tilespmem:$0xA160] =	vst v63  }
0x23: {  	_ =	swait.ge [sflag:s10], $0x1000  }
0x24: {  	[sflag:s10] =	ssyncset.done $0x0  }
0x25: {  	[sflag:s10] =	ssyncadd.s32 $0xFFFFF000  }
0x26: {  	[tilespmem:s14], [sflag:$0x1] =	stream.linear.gather [hbm4b:s7+s2], $0x1000, $0x38;
	[tilespmem:$0xA160] =	vst v63  }
0x27: {  	_ =	swait.ge [sflag:s10], $0x1000  }
0x28: {  	s17 =	simm.s32 $0xFFFFFFFC;
	[sflag:s10] =	ssyncset.done $0x0  }
0x29: {  	s18 =	simm.s32 $0x20;
	s19 =	simm.s32 $0x70D0;
	[sflag:s10] =	ssyncadd.s32 $0xFFFFF000  }
.LBB2_2:
0x2a: {  	v0 =	vld [tilespmem:s18+$0xFFFFFFE0];
	_ =	sdelay $0x7  }
0x2b: {  	v0 =	vld.idx.msk [tilespmem:v0+s11+$0x0], $0xffff;
	_ =	sdelay $0x4  }
0x2c: {  	[tilespmem:s19+$0xFFFFFFE0] =	vst v0  }
0x2d: {  	v0 =	vld [tilespmem:s18+$0xFFFFFFF0];
	_ =	sdelay $0x7  }
0x2e: {  	v0 =	vld.idx.msk [tilespmem:v0+s11+$0x0], $0xffff;
	_ =	sdelay $0x4  }
0x2f: {  	[tilespmem:s19+$0xFFFFFFF0] =	vst v0  }
0x30: {  	v0 =	vld [tilespmem:s18+$0x0];
	_ =	sdelay $0x7  }
0x31: {  	v0 =	vld.idx.msk [tilespmem:v0+s11+$0x0], $0xffff;
	_ =	sdelay $0x4  }
0x32: {  	[tilespmem:s19+$0x0] =	vst v0  }
0x33: {  	v0 =	vld [tilespmem:s18+$0x10];
	_ =	sdelay $0x6  }
0x34: {  	s17 =	sadd.s32 $0x4, s17  }
0x35: {  	p0 =	slt.u32 s17, $0x304;
	v0 =	vld.idx.msk [tilespmem:v0+s11+$0x0], $0xffff  }
.Ltmp0:
0x36: {  	_ = 	snop;
	(pc) =	sbr.rel @p0 .LBB2_2-.Ltmp0, $2  }
0x37: {  	_ =	sdelay $0x2  }
0x38: {  	s18 =	sadd.s32 $0x40, s18;
	[tilespmem:s19+$0x10] =	vst v0;
	s19 =	sadd.s32 $0x40, s19  }
0x39: {  	v0 =	vld [tilespmem:$0x3080];
	_ =	sdelay $0x5  }
0x3a: {  	v1 =	vld [tilespmem:$0x3090];
	_ =	sdelay $0x1  }
0x3b: {  	v0 =	vld.idx.msk [tilespmem:v0+s11+$0x0], $0xffff;
	_ =	sdelay $0x3  }
0x3c: {  	v2 =	vld [tilespmem:$0x30A0]  }
0x3d: {  	[tilespmem:$0xA130] =	vst v0  }
0x3e: {  	v0 =	vld.idx.msk [tilespmem:v1+s11+$0x0], $0xffff;
	_ =	sdelay $0x4  }
0x3f: {  	[tilespmem:$0xA140] =	vst v0  }
0x40: {  	v0 =	vld.idx.msk [tilespmem:v2+s11+$0x0], $0xffff;
	_ =	sdelay $0x2  }
0x41: {  	s16 =	sadd.s32 $0x1, s16  }
0x42: {  	p0 =	sne.s32 s16, s9  }
.Ltmp1:
0x43: {  	[tilespmem:$0xA150] =	vst v0;
	(pc) =	sbr.rel @p0 .LBB2_1-.Ltmp1, $4  }
0x44: {  	[hbm4b:s8+s2] =	stream.linear.scatter [tilespmem:s15], [sflag:$0x1], $0x30B0, $0x38;
	[tilespmem:$0xA160] =	vst v63  }
0x45: {  	_ =	swait.ge [sflag:s10], $0x30B0  }
0x46: {  	[sflag:s10] =	ssyncset.done $0x0  }
0x47: {  	[sflag:s10] =	ssyncadd.s32 $0xFFFFCF50  }
0x48: {  	_ =	sfence.sel $0x180000  }
0x49: {  	[bflag:$0x0] =	sbarrier.arrive $0xFFFF  }
0x4a: {  	p0 =	sne.s32 s0, $0x0;
	_ =	strace $0x90000047  }
0x4b: {  	s0 =	sadd.s32 @!p0 $0x100000, s1;
	[bflag:$0x2] =	sbarrier.arrive $0xFFFF  }
0x4c: {  	[sflag:s0] =	ssyncadd.tile.s32 @!p0 $0x1;
	_ =	shalt  }
.Lfunc_end2:
_tile_overlayer_lowered:
.L_overlay_start_2:
0x4d: {  	(tag) =	ssettag $0x2  }
0x4e: {  	s0 =	rddreg [dreg:$0x0];
	s2 =	stileid.u32  }
0x4f: {  	s1 =	rddreg [dreg:$0x1];
	p0 =	sne.s32 s2, $0x0  }
0x50: {  	s3 =	rddreg [dreg:$0x2];
	[bflag:$0x3] =	sbarrier.arrive $0xFFFF;
	s2 =	simm.s32 @!p0 $0x1C01  }
0x51: {  	[timem:s3], [sflag:s2] =	dma.local @!p0 [hbm:s0], s1  }
0x52: {  	s0 =	simm.s32 @!p0 $0x1  }
0x53: {  	_ =	swait.ge @!p0 [sflag:s0], s1  }
0x54: {  	s1 =	ssub.s32 @!p0 $0x0, s1;
	[sflag:s0] =	ssyncset.done @!p0 $0x0  }
0x55: {  	[sflag:s0] =	ssyncadd.s32 @!p0 s1  }
0x56: {  	[bflag:$0x3] =	sbarrier.arrive $0xFFFF  }
0x57: {  	_ =	shalt  }

</sc_bundles>
